<compile_context>
chip_gen: v7x
topology: tpu7x:2x2x1
jax: 0.10.2.dev20260603
libtpu: 0.0.44.dev20260713+nightly
codegen_flags: <defaults>
</compile_context>

<pallas_src>
import jax
import jax.numpy as jnp
from jax import lax
from jax.experimental import pallas as pl
from jax.experimental.pallas import tpu as pltpu
from jax.experimental.pallas import tpu_sc as plsc

B = 4
S = 2048
D = 1024
T = B * S
NC = 2
NS = 16
NW = NC * NS
C = 16
NBUF = 6
TPW = T // NW
NCH = TPW // C
EPS = 1e-12

BP = 1024
PBS = S // BP


def _sc_gather_body(x_h, tok_h, out_h, idx_v, row_v, *sems):
    cid = lax.axis_index("c")
    sid = lax.axis_index("s")
    w = sid * NC + cid
    base = w * TPW
    gsem = sems[:NBUF]
    wsem = sems[NBUF:]

    pltpu.sync_copy(x_h.at[pl.ds(base, TPW)], idx_v)

    wh = [None] * NBUF
    gh = [None] * NBUF
    for k in range(min(NBUF, NCH)):
        gh[k] = pltpu.async_copy(
            tok_h.at[idx_v.at[pl.ds(k * C, C)]], row_v.at[k], gsem[k])
    for k in range(NCH):
        rb = k % NBUF
        gh[rb].wait()
        wh[rb] = pltpu.async_copy(
            row_v.at[rb], out_h.at[pl.ds(base + k * C, C)], wsem[rb])
        nk = k + NBUF
        if nk < NCH:
            wh[rb].wait()
            gh[rb] = pltpu.async_copy(
                tok_h.at[idx_v.at[pl.ds(nk * C, C)]], row_v.at[rb],
                gsem[rb])
    for rb in range(min(NBUF, NCH)):
        if wh[rb] is not None:
            wh[rb].wait()


def _tc_body(gath_r, pe_r, seg_r, segemb_r, gamma_r, beta_r, out_r):
    sf = seg_r[...]
    s0 = segemb_r[0:1, :]
    s1 = segemb_r[1:2, :]
    e = gath_r[...] + pe_r[...] + s0 + sf * (s1 - s0)
    u = jnp.mean(e, axis=-1, keepdims=True)
    d = e - u
    var = jnp.mean(d * d, axis=-1, keepdims=True)
    out_r[...] = d * lax.rsqrt(var + EPS) * gamma_r[...] + beta_r[...]


@jax.jit
def _run(x_flat, segf, tok_embed, seg_embed, pe2d, gamma2, beta2):
    mesh = plsc.VectorSubcoreMesh(core_axis_name="c", subcore_axis_name="s")
    gathered = pl.kernel(
        _sc_gather_body,
        out_type=jax.ShapeDtypeStruct((T, D), jnp.float32),
        mesh=mesh,
        scratch_types=[
            pltpu.VMEM((TPW,), jnp.int32),
            pltpu.VMEM((NBUF, C, D), jnp.float32),
        ] + [pltpu.SemaphoreType.DMA] * (2 * NBUF),
        compiler_params=pltpu.CompilerParams(needs_layout_passes=False),
    )(x_flat, tok_embed)

    tok_blk = lambda p, b: (b * PBS + p, 0)
    return pl.pallas_call(
        _tc_body,
        grid=(PBS, B),
        in_specs=[
            pl.BlockSpec((BP, D), tok_blk),
            pl.BlockSpec((BP, D), lambda p, b: (p, 0)),
            pl.BlockSpec((BP, 1), tok_blk),
            pl.BlockSpec((2, D), lambda p, b: (0, 0)),
            pl.BlockSpec((1, D), lambda p, b: (0, 0)),
            pl.BlockSpec((1, D), lambda p, b: (0, 0)),
        ],
        out_specs=pl.BlockSpec((BP, D), tok_blk),
        out_shape=jax.ShapeDtypeStruct((T, D), jnp.float32),
    )(gathered, pe2d, segf, seg_embed, gamma2, beta2)


def kernel(x, seg, tok_embed, seg_embed, pe, gamma, beta):
    out = _run(x.reshape(-1), seg.astype(jnp.float32).reshape(-1, 1),
               tok_embed, seg_embed,
               pe.reshape(pe.shape[1], pe.shape[2]),
               gamma.reshape(1, D), beta.reshape(1, D))
    return out.reshape(x.shape[0], x.shape[1], D)

# --- scband reference (transcript-rebuilt; emitter-appended) ---
"""Pipeline reference for scband-embeddings-4509715660803 (READ-ONLY COPY).

The authoritative reference and input builder live on the scoring server;
editing this copy changes nothing except your own understanding.
"""

import jax, jax.numpy as jnp
import numpy as np
import math

VOCAB = 100000
MAX_LEN = 4096
N_SEG = 2
DIM = 1024
EPS = 1e-12

def _make_pe(max_len, dim):
    position = np.arange(0.0, max_len)[:, None]
    div_term = np.exp(np.arange(0.0, dim, 2) * -(math.log(10000.0) / dim))
    pe = np.zeros((max_len, dim), dtype=np.float32)
    pe[:, 0::2] = np.sin(position * div_term)
    pe[:, 1::2] = np.cos(position * div_term)
    return jnp.asarray(pe[None, :, :])

def setup_inputs(seed: int = 0) -> dict:
    key = jax.random.key(seed)
    k1, k2, k3, k4 = jax.random.split(key, 4)
    x = jax.random.randint(k1, (4, 2048), 0, VOCAB, dtype=jnp.int64 if jax.config.jax_enable_x64 else jnp.int32).astype(jnp.int32)
    seg = jax.random.randint(k2, (4, 2048), 0, N_SEG).astype(jnp.int32)
    tok_embed = jax.random.normal(k3, (VOCAB, DIM), dtype=jnp.float32) * 0.02
    seg_embed = jax.random.normal(k4, (N_SEG, DIM), dtype=jnp.float32) * 0.02
    pe = _make_pe(MAX_LEN, DIM)
    gamma = jnp.ones((DIM,), dtype=jnp.float32)
    beta = jnp.zeros((DIM,), dtype=jnp.float32)
    return {"x": x, "seg": seg, "tok_embed": tok_embed, "seg_embed": seg_embed, "pe": pe, "gamma": gamma, "beta": beta}

def reference(x, seg, tok_embed, seg_embed, pe, gamma, beta):
    seq_len = x.shape[1]
    # token embedding lookup + fixed sinusoidal positional + segment embedding
    e = jnp.take(tok_embed, x, axis=0) + pe[:, :seq_len] + jnp.take(seg_embed, seg, axis=0)
    # TF-style LayerNorm (epsilon inside sqrt)
    u = e.mean(-1, keepdims=True)
    s = ((e - u) ** 2).mean(-1, keepdims=True)
    e = (e - u) / jnp.sqrt(s + EPS)
    out = gamma * e + beta
    # dropout is identity in eval mode
    return out

if __name__ == "__main__":
    import jax
    _d = setup_inputs()
    print(jax.jit(kernel)(*tuple(_d.values())))

</pallas_src>

<mosaic_0001>
#map = affine_map<(d0, d1) -> (0)>
#map1 = affine_map<(d0, d1) -> (0, 0)>
module attributes {stable_mosaic.version = 14 : i64} {
  func.func @_sc_gather_body(%arg0: i32, %arg1: i32, %arg2: memref<8192xi32, #tpu.memory_space<hbm>>, %arg3: memref<100000x1024xf32, #tpu.memory_space<hbm>>, %arg4: memref<8192x1024xf32, #tpu.memory_space<hbm>>, %arg5: memref<256xi32, #tpu.memory_space<vmem>>, %arg6: memref<6x16x1024xf32, #tpu.memory_space<vmem>>, %arg7: memref<!tpu.dma_semaphore, #tpu.memory_space<semaphore_mem>>, %arg8: memref<!tpu.dma_semaphore, #tpu.memory_space<semaphore_mem>>, %arg9: memref<!tpu.dma_semaphore, #tpu.memory_space<semaphore_mem>>, %arg10: memref<!tpu.dma_semaphore, #tpu.memory_space<semaphore_mem>>, %arg11: memref<!tpu.dma_semaphore, #tpu.memory_space<semaphore_mem>>, %arg12: memref<!tpu.dma_semaphore, #tpu.memory_space<semaphore_mem>>, %arg13: memref<!tpu.dma_semaphore, #tpu.memory_space<semaphore_mem>>, %arg14: memref<!tpu.dma_semaphore, #tpu.memory_space<semaphore_mem>>, %arg15: memref<!tpu.dma_semaphore, #tpu.memory_space<semaphore_mem>>, %arg16: memref<!tpu.dma_semaphore, #tpu.memory_space<semaphore_mem>>, %arg17: memref<!tpu.dma_semaphore, #tpu.memory_space<semaphore_mem>>, %arg18: memref<!tpu.dma_semaphore, #tpu.memory_space<semaphore_mem>>) attributes {dimension_semantics = [#tpu.dimension_semantics<core_parallel>, #tpu.dimension_semantics<subcore_parallel>], iteration_bounds = array<i64: 2, 16>, scalar_prefetch = 0 : i64, scratch_operands = 14 : i64, tpu.core_type = #tpu.core_type<sc_vector_subcore>, window_params = [{transform_indices = #map}, {transform_indices = #map1}, {transform_indices = #map1}]} {
    %mul3A = arith.constant 2 : i32
    %mul3A_0 = arith.muli %arg1, %mul3A : i32
    %add3A = arith.addi %mul3A_0, %arg0 : i32
    %mul3A_1 = arith.constant 256 : i32
    %mul3A_2 = arith.muli %add3A, %mul3A_1 : i32
    "tpu.region"() ({
      %run_scoped3A = tpu.sem_alloc : memref<!tpu.dma_semaphore, #tpu.memory_space<semaphore_mem>>
      %dma_start3A_769 = tpu.memref_slice %arg2[%mul3A_2] : memref<8192xi32, #tpu.memory_space<hbm>> -> memref<256xi32, #tpu.memory_space<hbm>>
      %dma_start3A_770 = tpu.memref_slice %arg2[%mul3A_2] : memref<8192xi32, #tpu.memory_space<hbm>> -> memref<256xi32, #tpu.memory_space<hbm>>
      tpu.enqueue_dma source(%dma_start3A_770 : memref<256xi32, #tpu.memory_space<hbm>>) target(%arg5 : memref<256xi32, #tpu.memory_space<vmem>>) target_semaphore(%run_scoped3A : memref<!tpu.dma_semaphore, #tpu.memory_space<semaphore_mem>>)
      %dma_wait3A_771 = tpu.memref_slice %arg2[%mul3A_2] : memref<8192xi32, #tpu.memory_space<hbm>> -> memref<256xi32, #tpu.memory_space<hbm>>
      %dma_wait3A_772 = tpu.memref_slice %arg2[%mul3A_2] : memref<8192xi32, #tpu.memory_space<hbm>> -> memref<256xi32, #tpu.memory_space<hbm>>
      tpu.wait_dma2 semaphore(%run_scoped3A : memref<!tpu.dma_semaphore, #tpu.memory_space<semaphore_mem>>) src(%dma_wait3A_772 : memref<256xi32, #tpu.memory_space<hbm>>) dst(%arg5 : memref<256xi32, #tpu.memory_space<vmem>>)
      tpu.yield
    }) : () -> ()
    %dma_start3A = arith.constant 0 : i32
    %dma_start3A_3 = arith.constant 0 : i32
    %dma_start3A_4 = arith.constant 0 : i32
    %dma_start3A_5 = tpu.memref_slice %arg6[%dma_start3A, %dma_start3A_3, %dma_start3A_4] : memref<6x16x1024xf32, #tpu.memory_space<vmem>> -> memref<1x16x1024xf32, #tpu.memory_space<vmem>>
    %dma_start3A_6 = tpu.memref_squeeze %dma_start3A_5 : memref<1x16x1024xf32, #tpu.memory_space<vmem>> -> memref<16x1024xf32, #tpu.memory_space<vmem>>
    %dma_start3A_7 = arith.constant 0 : i32
    %dma_start3A_8 = tpu.memref_slice %arg5[%dma_start3A_7] : memref<256xi32, #tpu.memory_space<vmem>> -> memref<16xi32, #tpu.memory_space<vmem>>
    %dma_start3A_9 = arith.constant 0 : i32
    %dma_start3A_10 = arith.constant 0 : i32
    %dma_start3A_11 = tpu.memref_slice %arg3[%dma_start3A_9, %dma_start3A_10] : memref<100000x1024xf32, #tpu.memory_space<hbm>> -> memref<100000x1024xf32, #tpu.memory_space<hbm>>
    tpu.enqueue_indirect_dma source(%dma_start3A_11 : memref<100000x1024xf32, #tpu.memory_space<hbm>>) target(%dma_start3A_6 : memref<16x1024xf32, #tpu.memory_space<vmem>>) offsets(%dma_start3A_8 : memref<16xi32, #tpu.memory_space<vmem>>) semaphore(%arg7 : memref<!tpu.dma_semaphore, #tpu.memory_space<semaphore_mem>>)
    %dma_start3A_12 = arith.constant 1 : i32
    %dma_start3A_13 = arith.constant 0 : i32
    %dma_start3A_14 = arith.constant 0 : i32
    %dma_start3A_15 = tpu.memref_slice %arg6[%dma_start3A_12, %dma_start3A_13, %dma_start3A_14] : memref<6x16x1024xf32, #tpu.memory_space<vmem>> -> memref<1x16x1024xf32, #tpu.memory_space<vmem>>
    %dma_start3A_16 = tpu.memref_squeeze %dma_start3A_15 : memref<1x16x1024xf32, #tpu.memory_space<vmem>> -> memref<16x1024xf32, #tpu.memory_space<vmem>>
    %dma_start3A_17 = arith.constant 16 : i32
    %dma_start3A_18 = tpu.memref_slice %arg5[%dma_start3A_17] : memref<256xi32, #tpu.memory_space<vmem>> -> memref<16xi32, #tpu.memory_space<vmem>>
    %dma_start3A_19 = arith.constant 0 : i32
    %dma_start3A_20 = arith.constant 0 : i32
    %dma_start3A_21 = tpu.memref_slice %arg3[%dma_start3A_19, %dma_start3A_20] : memref<100000x1024xf32, #tpu.memory_space<hbm>> -> memref<100000x1024xf32, #tpu.memory_space<hbm>>
    tpu.enqueue_indirect_dma source(%dma_start3A_21 : memref<100000x1024xf32, #tpu.memory_space<hbm>>) target(%dma_start3A_16 : memref<16x1024xf32, #tpu.memory_space<vmem>>) offsets(%dma_start3A_18 : memref<16xi32, #tpu.memory_space<vmem>>) semaphore(%arg8 : memref<!tpu.dma_semaphore, #tpu.memory_space<semaphore_mem>>)
    %dma_start3A_22 = arith.constant 2 : i32
    %dma_start3A_23 = arith.constant 0 : i32
    %dma_start3A_24 = arith.constant 0 : i32
    %dma_start3A_25 = tpu.memref_slice %arg6[%dma_start3A_22, %dma_start3A_23, %dma_start3A_24] : memref<6x16x1024xf32, #tpu.memory_space<vmem>> -> memref<1x16x1024xf32, #tpu.memory_space<vmem>>
    %dma_start3A_26 = tpu.memref_squeeze %dma_start3A_25 : memref<1x16x1024xf32, #tpu.memory_space<vmem>> -> memref<16x1024xf32, #tpu.memory_space<vmem>>
    %dma_start3A_27 = arith.constant 32 : i32
    %dma_start3A_28 = tpu.memref_slice %arg5[%dma_start3A_27] : memref<256xi32, #tpu.memory_space<vmem>> -> memref<16xi32, #tpu.memory_space<vmem>>
    %dma_start3A_29 = arith.constant 0 : i32
    %dma_start3A_30 = arith.constant 0 : i32
    %dma_start3A_31 = tpu.memref_slice %arg3[%dma_start3A_29, %dma_start3A_30] : memref<100000x1024xf32, #tpu.memory_space<hbm>> -> memref<100000x1024xf32, #tpu.memory_space<hbm>>
    tpu.enqueue_indirect_dma source(%dma_start3A_31 : memref<100000x1024xf32, #tpu.memory_space<hbm>>) target(%dma_start3A_26 : memref<16x1024xf32, #tpu.memory_space<vmem>>) offsets(%dma_start3A_28 : memref<16xi32, #tpu.memory_space<vmem>>) semaphore(%arg9 : memref<!tpu.dma_semaphore, #tpu.memory_space<semaphore_mem>>)
    %dma_start3A_32 = arith.constant 3 : i32
    %dma_start3A_33 = arith.constant 0 : i32
    %dma_start3A_34 = arith.constant 0 : i32
    %dma_start3A_35 = tpu.memref_slice %arg6[%dma_start3A_32, %dma_start3A_33, %dma_start3A_34] : memref<6x16x1024xf32, #tpu.memory_space<vmem>> -> memref<1x16x1024xf32, #tpu.memory_space<vmem>>
    %dma_start3A_36 = tpu.memref_squeeze %dma_start3A_35 : memref<1x16x1024xf32, #tpu.memory_space<vmem>> -> memref<16x1024xf32, #tpu.memory_space<vmem>>
    %dma_start3A_37 = arith.constant 48 : i32
    %dma_start3A_38 = tpu.memref_slice %arg5[%dma_start3A_37] : memref<256xi32, #tpu.memory_space<vmem>> -> memref<16xi32, #tpu.memory_space<vmem>>
    %dma_start3A_39 = arith.constant 0 : i32
    %dma_start3A_40 = arith.constant 0 : i32
    %dma_start3A_41 = tpu.memref_slice %arg3[%dma_start3A_39, %dma_start3A_40] : memref<100000x1024xf32, #tpu.memory_space<hbm>> -> memref<100000x1024xf32, #tpu.memory_space<hbm>>
    tpu.enqueue_indirect_dma source(%dma_start3A_41 : memref<100000x1024xf32, #tpu.memory_space<hbm>>) target(%dma_start3A_36 : memref<16x1024xf32, #tpu.memory_space<vmem>>) offsets(%dma_start3A_38 : memref<16xi32, #tpu.memory_space<vmem>>) semaphore(%arg10 : memref<!tpu.dma_semaphore, #tpu.memory_space<semaphore_mem>>)
    %dma_start3A_42 = arith.constant 4 : i32
    %dma_start3A_43 = arith.constant 0 : i32
    %dma_start3A_44 = arith.constant 0 : i32
    %dma_start3A_45 = tpu.memref_slice %arg6[%dma_start3A_42, %dma_start3A_43, %dma_start3A_44] : memref<6x16x1024xf32, #tpu.memory_space<vmem>> -> memref<1x16x1024xf32, #tpu.memory_space<vmem>>
    %dma_start3A_46 = tpu.memref_squeeze %dma_start3A_45 : memref<1x16x1024xf32, #tpu.memory_space<vmem>> -> memref<16x1024xf32, #tpu.memory_space<vmem>>
    %dma_start3A_47 = arith.constant 64 : i32
    %dma_start3A_48 = tpu.memref_slice %arg5[%dma_start3A_47] : memref<256xi32, #tpu.memory_space<vmem>> -> memref<16xi32, #tpu.memory_space<vmem>>
    %dma_start3A_49 = arith.constant 0 : i32
    %dma_start3A_50 = arith.constant 0 : i32
    %dma_start3A_51 = tpu.memref_slice %arg3[%dma_start3A_49, %dma_start3A_50] : memref<100000x1024xf32, #tpu.memory_space<hbm>> -> memref<100000x1024xf32, #tpu.memory_space<hbm>>
    tpu.enqueue_indirect_dma source(%dma_start3A_51 : memref<100000x1024xf32, #tpu.memory_space<hbm>>) target(%dma_start3A_46 : memref<16x1024xf32, #tpu.memory_space<vmem>>) offsets(%dma_start3A_48 : memref<16xi32, #tpu.memory_space<vmem>>) semaphore(%arg11 : memref<!tpu.dma_semaphore, #tpu.memory_space<semaphore_mem>>)
    %dma_start3A_52 = arith.constant 5 : i32
    %dma_start3A_53 = arith.constant 0 : i32
    %dma_start3A_54 = arith.constant 0 : i32
    %dma_start3A_55 = tpu.memref_slice %arg6[%dma_start3A_52, %dma_start3A_53, %dma_start3A_54] : memref<6x16x1024xf32, #tpu.memory_space<vmem>> -> memref<1x16x1024xf32, #tpu.memory_space<vmem>>
    %dma_start3A_56 = tpu.memref_squeeze %dma_start3A_55 : memref<1x16x1024xf32, #tpu.memory_space<vmem>> -> memref<16x1024xf32, #tpu.memory_space<vmem>>
    %dma_start3A_57 = arith.constant 80 : i32
    %dma_start3A_58 = tpu.memref_slice %arg5[%dma_start3A_57] : memref<256xi32, #tpu.memory_space<vmem>> -> memref<16xi32, #tpu.memory_space<vmem>>
    %dma_start3A_59 = arith.constant 0 : i32
    %dma_start3A_60 = arith.constant 0 : i32
    %dma_start3A_61 = tpu.memref_slice %arg3[%dma_start3A_59, %dma_start3A_60] : memref<100000x1024xf32, #tpu.memory_space<hbm>> -> memref<100000x1024xf32, #tpu.memory_space<hbm>>
    tpu.enqueue_indirect_dma source(%dma_start3A_61 : memref<100000x1024xf32, #tpu.memory_space<hbm>>) target(%dma_start3A_56 : memref<16x1024xf32, #tpu.memory_space<vmem>>) offsets(%dma_start3A_58 : memref<16xi32, #tpu.memory_space<vmem>>) semaphore(%arg12 : memref<!tpu.dma_semaphore, #tpu.memory_space<semaphore_mem>>)
    %dma_wait3A = arith.constant 0 : i32
    %dma_wait3A_62 = arith.constant 0 : i32
    %dma_wait3A_63 = arith.constant 0 : i32
    %dma_wait3A_64 = tpu.memref_slice %arg6[%dma_wait3A, %dma_wait3A_62, %dma_wait3A_63] : memref<6x16x1024xf32, #tpu.memory_space<vmem>> -> memref<1x16x1024xf32, #tpu.memory_space<vmem>>
    %dma_wait3A_65 = tpu.memref_squeeze %dma_wait3A_64 : memref<1x16x1024xf32, #tpu.memory_space<vmem>> -> memref<16x1024xf32, #tpu.memory_space<vmem>>
    %dma_wait3A_66 = arith.constant 0 : i32
    %dma_wait3A_67 = tpu.memref_slice %arg5[%dma_wait3A_66] : memref<256xi32, #tpu.memory_space<vmem>> -> memref<16xi32, #tpu.memory_space<vmem>>
    %dma_wait3A_68 = arith.constant 0 : i32
    %dma_wait3A_69 = arith.constant 0 : i32
    %dma_wait3A_70 = tpu.memref_slice %arg3[%dma_wait3A_68, %dma_wait3A_69] : memref<100000x1024xf32, #tpu.memory_space<hbm>> -> memref<100000x1024xf32, #tpu.memory_space<hbm>>
    tpu.wait_indirect_dma semaphore(%arg7 : memref<!tpu.dma_semaphore, #tpu.memory_space<semaphore_mem>>) src(%dma_wait3A_70 : memref<100000x1024xf32, #tpu.memory_space<hbm>>) dst(%dma_wait3A_65 : memref<16x1024xf32, #tpu.memory_space<vmem>>)
    %add3A_71 = arith.constant 0 : i32
    %add3A_72 = arith.addi %mul3A_2, %add3A_71 : i32
    %dma_start3A_73 = arith.constant 0 : i32
    %dma_start3A_74 = arith.constant 0 : i32
    %dma_start3A_75 = arith.constant 0 : i32
    %dma_start3A_76 = tpu.memref_slice %arg6[%dma_start3A_73, %dma_start3A_74, %dma_start3A_75] : memref<6x16x1024xf32, #tpu.memory_space<vmem>> -> memref<1x16x1024xf32, #tpu.memory_space<vmem>>
    %dma_start3A_77 = tpu.memref_squeeze %dma_start3A_76 : memref<1x16x1024xf32, #tpu.memory_space<vmem>> -> memref<16x1024xf32, #tpu.memory_space<vmem>>
    %dma_start3A_78 = arith.constant 0 : i32
    %dma_start3A_79 = tpu.memref_slice %arg4[%add3A_72, %dma_start3A_78] : memref<8192x1024xf32, #tpu.memory_space<hbm>> -> memref<16x1024xf32, #tpu.memory_space<hbm>>
    %dma_start3A_80 = arith.constant 0 : i32
    %dma_start3A_81 = tpu.memref_slice %arg4[%add3A_72, %dma_start3A_80] : memref<8192x1024xf32, #tpu.memory_space<hbm>> -> memref<16x1024xf32, #tpu.memory_space<hbm>>
    %dma_start3A_82 = arith.constant 0 : i32
    %dma_start3A_83 = arith.constant 0 : i32
    %dma_start3A_84 = tpu.memref_slice %arg6[%dma_start3A_73, %dma_start3A_82, %dma_start3A_83] : memref<6x16x1024xf32, #tpu.memory_space<vmem>> -> memref<1x16x1024xf32, #tpu.memory_space<vmem>>
    %dma_start3A_85 = tpu.memref_squeeze %dma_start3A_84 : memref<1x16x1024xf32, #tpu.memory_space<vmem>> -> memref<16x1024xf32, #tpu.memory_space<vmem>>
    tpu.enqueue_dma source(%dma_start3A_85 : memref<16x1024xf32, #tpu.memory_space<vmem>>) target(%dma_start3A_81 : memref<16x1024xf32, #tpu.memory_space<hbm>>) target_semaphore(%arg13 : memref<!tpu.dma_semaphore, #tpu.memory_space<semaphore_mem>>)
    %dma_wait3A_86 = arith.constant 0 : i32
    %dma_wait3A_87 = arith.constant 0 : i32
    %dma_wait3A_88 = arith.constant 0 : i32
    %dma_wait3A_89 = tpu.memref_slice %arg6[%dma_wait3A_86, %dma_wait3A_87, %dma_wait3A_88] : memref<6x16x1024xf32, #tpu.memory_space<vmem>> -> memref<1x16x1024xf32, #tpu.memory_space<vmem>>
    %dma_wait3A_90 = tpu.memref_squeeze %dma_wait3A_89 : memref<1x16x1024xf32, #tpu.memory_space<vmem>> -> memref<16x1024xf32, #tpu.memory_space<vmem>>
    %dma_wait3A_91 = arith.constant 0 : i32
    %dma_wait3A_92 = tpu.memref_slice %arg4[%add3A_72, %dma_wait3A_91] : memref<8192x1024xf32, #tpu.memory_space<hbm>> -> memref<16x1024xf32, #tpu.memory_space<hbm>>
    %dma_wait3A_93 = arith.constant 0 : i32
    %dma_wait3A_94 = tpu.memref_slice %arg4[%add3A_72, %dma_wait3A_93] : memref<8192x1024xf32, #tpu.memory_space<hbm>> -> memref<16x1024xf32, #tpu.memory_space<hbm>>
    %dma_wait3A_95 = arith.constant 0 : i32
    %dma_wait3A_96 = arith.constant 0 : i32
    %dma_wait3A_97 = tpu.memref_slice %arg6[%dma_wait3A_86, %dma_wait3A_95, %dma_wait3A_96] : memref<6x16x1024xf32, #tpu.memory_space<vmem>> -> memref<1x16x1024xf32, #tpu.memory_space<vmem>>
    %dma_wait3A_98 = tpu.memref_squeeze %dma_wait3A_97 : memref<1x16x1024xf32, #tpu.memory_space<vmem>> -> memref<16x1024xf32, #tpu.memory_space<vmem>>
    tpu.wait_dma2 semaphore(%arg13 : memref<!tpu.dma_semaphore, #tpu.memory_space<semaphore_mem>>) src(%dma_wait3A_98 : memref<16x1024xf32, #tpu.memory_space<vmem>>) dst(%dma_wait3A_94 : memref<16x1024xf32, #tpu.memory_space<hbm>>)
    %dma_start3A_99 = arith.constant 0 : i32
    %dma_start3A_100 = arith.constant 0 : i32
    %dma_start3A_101 = arith.constant 0 : i32
    %dma_start3A_102 = tpu.memref_slice %arg6[%dma_start3A_99, %dma_start3A_100, %dma_start3A_101] : memref<6x16x1024xf32, #tpu.memory_space<vmem>> -> memref<1x16x1024xf32, #tpu.memory_space<vmem>>
    %dma_start3A_103 = tpu.memref_squeeze %dma_start3A_102 : memref<1x16x1024xf32, #tpu.memory_space<vmem>> -> memref<16x1024xf32, #tpu.memory_space<vmem>>
    %dma_start3A_104 = arith.constant 96 : i32
    %dma_start3A_105 = tpu.memref_slice %arg5[%dma_start3A_104] : memref<256xi32, #tpu.memory_space<vmem>> -> memref<16xi32, #tpu.memory_space<vmem>>
    %dma_start3A_106 = arith.constant 0 : i32
    %dma_start3A_107 = arith.constant 0 : i32
    %dma_start3A_108 = tpu.memref_slice %arg3[%dma_start3A_106, %dma_start3A_107] : memref<100000x1024xf32, #tpu.memory_space<hbm>> -> memref<100000x1024xf32, #tpu.memory_space<hbm>>
    tpu.enqueue_indirect_dma source(%dma_start3A_108 : memref<100000x1024xf32, #tpu.memory_space<hbm>>) target(%dma_start3A_103 : memref<16x1024xf32, #tpu.memory_space<vmem>>) offsets(%dma_start3A_105 : memref<16xi32, #tpu.memory_space<vmem>>) semaphore(%arg7 : memref<!tpu.dma_semaphore, #tpu.memory_space<semaphore_mem>>)
    %dma_wait3A_109 = arith.constant 1 : i32
    %dma_wait3A_110 = arith.constant 0 : i32
    %dma_wait3A_111 = arith.constant 0 : i32
    %dma_wait3A_112 = tpu.memref_slice %arg6[%dma_wait3A_109, %dma_wait3A_110, %dma_wait3A_111] : memref<6x16x1024xf32, #tpu.memory_space<vmem>> -> memref<1x16x1024xf32, #tpu.memory_space<vmem>>
    %dma_wait3A_113 = tpu.memref_squeeze %dma_wait3A_112 : memref<1x16x1024xf32, #tpu.memory_space<vmem>> -> memref<16x1024xf32, #tpu.memory_space<vmem>>
    %dma_wait3A_114 = arith.constant 16 : i32
    %dma_wait3A_115 = tpu.memref_slice %arg5[%dma_wait3A_114] : memref<256xi32, #tpu.memory_space<vmem>> -> memref<16xi32, #tpu.memory_space<vmem>>
    %dma_wait3A_116 = arith.constant 0 : i32
    %dma_wait3A_117 = arith.constant 0 : i32
    %dma_wait3A_118 = tpu.memref_slice %arg3[%dma_wait3A_116, %dma_wait3A_117] : memref<100000x1024xf32, #tpu.memory_space<hbm>> -> memref<100000x1024xf32, #tpu.memory_space<hbm>>
    tpu.wait_indirect_dma semaphore(%arg8 : memref<!tpu.dma_semaphore, #tpu.memory_space<semaphore_mem>>) src(%dma_wait3A_118 : memref<100000x1024xf32, #tpu.memory_space<hbm>>) dst(%dma_wait3A_113 : memref<16x1024xf32, #tpu.memory_space<vmem>>)
    %add3A_119 = arith.constant 16 : i32
    %add3A_120 = arith.addi %mul3A_2, %add3A_119 : i32
    %dma_start3A_121 = arith.constant 1 : i32
    %dma_start3A_122 = arith.constant 0 : i32
    %dma_start3A_123 = arith.constant 0 : i32
    %dma_start3A_124 = tpu.memref_slice %arg6[%dma_start3A_121, %dma_start3A_122, %dma_start3A_123] : memref<6x16x1024xf32, #tpu.memory_space<vmem>> -> memref<1x16x1024xf32, #tpu.memory_space<vmem>>
    %dma_start3A_125 = tpu.memref_squeeze %dma_start3A_124 : memref<1x16x1024xf32, #tpu.memory_space<vmem>> -> memref<16x1024xf32, #tpu.memory_space<vmem>>
    %dma_start3A_126 = arith.constant 0 : i32
    %dma_start3A_127 = tpu.memref_slice %arg4[%add3A_120, %dma_start3A_126] : memref<8192x1024xf32, #tpu.memory_space<hbm>> -> memref<16x1024xf32, #tpu.memory_space<hbm>>
    %dma_start3A_128 = arith.constant 0 : i32
    %dma_start3A_129 = tpu.memref_slice %arg4[%add3A_120, %dma_start3A_128] : memref<8192x1024xf32, #tpu.memory_space<hbm>> -> memref<16x1024xf32, #tpu.memory_space<hbm>>
    %dma_start3A_130 = arith.constant 0 : i32
    %dma_start3A_131 = arith.constant 0 : i32
    %dma_start3A_132 = tpu.memref_slice %arg6[%dma_start3A_121, %dma_start3A_130, %dma_start3A_131] : memref<6x16x1024xf32, #tpu.memory_space<vmem>> -> memref<1x16x1024xf32, #tpu.memory_space<vmem>>
    %dma_start3A_133 = tpu.memref_squeeze %dma_start3A_132 : memref<1x16x1024xf32, #tpu.memory_space<vmem>> -> memref<16x1024xf32, #tpu.memory_space<vmem>>
    tpu.enqueue_dma source(%dma_start3A_133 : memref<16x1024xf32, #tpu.memory_space<vmem>>) target(%dma_start3A_129 : memref<16x1024xf32, #tpu.memory_space<hbm>>) target_semaphore(%arg14 : memref<!tpu.dma_semaphore, #tpu.memory_space<semaphore_mem>>)
    %dma_wait3A_134 = arith.constant 1 : i32
    %dma_wait3A_135 = arith.constant 0 : i32
    %dma_wait3A_136 = arith.constant 0 : i32
    %dma_wait3A_137 = tpu.memref_slice %arg6[%dma_wait3A_134, %dma_wait3A_135, %dma_wait3A_136] : memref<6x16x1024xf32, #tpu.memory_space<vmem>> -> memref<1x16x1024xf32, #tpu.memory_space<vmem>>
    %dma_wait3A_138 = tpu.memref_squeeze %dma_wait3A_137 : memref<1x16x1024xf32, #tpu.memory_space<vmem>> -> memref<16x1024xf32, #tpu.memory_space<vmem>>
    %dma_wait3A_139 = arith.constant 0 : i32
    %dma_wait3A_140 = tpu.memref_slice %arg4[%add3A_120, %dma_wait3A_139] : memref<8192x1024xf32, #tpu.memory_space<hbm>> -> memref<16x1024xf32, #tpu.memory_space<hbm>>
    %dma_wait3A_141 = arith.constant 0 : i32
    %dma_wait3A_142 = tpu.memref_slice %arg4[%add3A_120, %dma_wait3A_141] : memref<8192x1024xf32, #tpu.memory_space<hbm>> -> memref<16x1024xf32, #tpu.memory_space<hbm>>
    %dma_wait3A_143 = arith.constant 0 : i32
    %dma_wait3A_144 = arith.constant 0 : i32
    %dma_wait3A_145 = tpu.memref_slice %arg6[%dma_wait3A_134, %dma_wait3A_143, %dma_wait3A_144] : memref<6x16x1024xf32, #tpu.memory_space<vmem>> -> memref<1x16x1024xf32, #tpu.memory_space<vmem>>
    %dma_wait3A_146 = tpu.memref_squeeze %dma_wait3A_145 : memref<1x16x1024xf32, #tpu.memory_space<vmem>> -> memref<16x1024xf32, #tpu.memory_space<vmem>>
    tpu.wait_dma2 semaphore(%arg14 : memref<!tpu.dma_semaphore, #tpu.memory_space<semaphore_mem>>) src(%dma_wait3A_146 : memref<16x1024xf32, #tpu.memory_space<vmem>>) dst(%dma_wait3A_142 : memref<16x1024xf32, #tpu.memory_space<hbm>>)
    %dma_start3A_147 = arith.constant 1 : i32
    %dma_start3A_148 = arith.constant 0 : i32
    %dma_start3A_149 = arith.constant 0 : i32
    %dma_start3A_150 = tpu.memref_slice %arg6[%dma_start3A_147, %dma_start3A_148, %dma_start3A_149] : memref<6x16x1024xf32, #tpu.memory_space<vmem>> -> memref<1x16x1024xf32, #tpu.memory_space<vmem>>
    %dma_start3A_151 = tpu.memref_squeeze %dma_start3A_150 : memref<1x16x1024xf32, #tpu.memory_space<vmem>> -> memref<16x1024xf32, #tpu.memory_space<vmem>>
    %dma_start3A_152 = arith.constant 112 : i32
    %dma_start3A_153 = tpu.memref_slice %arg5[%dma_start3A_152] : memref<256xi32, #tpu.memory_space<vmem>> -> memref<16xi32, #tpu.memory_space<vmem>>
    %dma_start3A_154 = arith.constant 0 : i32
    %dma_start3A_155 = arith.constant 0 : i32
    %dma_start3A_156 = tpu.memref_slice %arg3[%dma_start3A_154, %dma_start3A_155] : memref<100000x1024xf32, #tpu.memory_space<hbm>> -> memref<100000x1024xf32, #tpu.memory_space<hbm>>
    tpu.enqueue_indirect_dma source(%dma_start3A_156 : memref<100000x1024xf32, #tpu.memory_space<hbm>>) target(%dma_start3A_151 : memref<16x1024xf32, #tpu.memory_space<vmem>>) offsets(%dma_start3A_153 : memref<16xi32, #tpu.memory_space<vmem>>) semaphore(%arg8 : memref<!tpu.dma_semaphore, #tpu.memory_space<semaphore_mem>>)
    %dma_wait3A_157 = arith.constant 2 : i32
    %dma_wait3A_158 = arith.constant 0 : i32
    %dma_wait3A_159 = arith.constant 0 : i32
    %dma_wait3A_160 = tpu.memref_slice %arg6[%dma_wait3A_157, %dma_wait3A_158, %dma_wait3A_159] : memref<6x16x1024xf32, #tpu.memory_space<vmem>> -> memref<1x16x1024xf32, #tpu.memory_space<vmem>>
    %dma_wait3A_161 = tpu.memref_squeeze %dma_wait3A_160 : memref<1x16x1024xf32, #tpu.memory_space<vmem>> -> memref<16x1024xf32, #tpu.memory_space<vmem>>
    %dma_wait3A_162 = arith.constant 32 : i32
    %dma_wait3A_163 = tpu.memref_slice %arg5[%dma_wait3A_162] : memref<256xi32, #tpu.memory_space<vmem>> -> memref<16xi32, #tpu.memory_space<vmem>>
    %dma_wait3A_164 = arith.constant 0 : i32
    %dma_wait3A_165 = arith.constant 0 : i32
    %dma_wait3A_166 = tpu.memref_slice %arg3[%dma_wait3A_164, %dma_wait3A_165] : memref<100000x1024xf32, #tpu.memory_space<hbm>> -> memref<100000x1024xf32, #tpu.memory_space<hbm>>
    tpu.wait_indirect_dma semaphore(%arg9 : memref<!tpu.dma_semaphore, #tpu.memory_space<semaphore_mem>>) src(%dma_wait3A_166 : memref<100000x1024xf32, #tpu.memory_space<hbm>>) dst(%dma_wait3A_161 : memref<16x1024xf32, #tpu.memory_space<vmem>>)
    %add3A_167 = arith.constant 32 : i32
    %add3A_168 = arith.addi %mul3A_2, %add3A_167 : i32
    %dma_start3A_169 = arith.constant 2 : i32
    %dma_start3A_170 = arith.constant 0 : i32
    %dma_start3A_171 = arith.constant 0 : i32
    %dma_start3A_172 = tpu.memref_slice %arg6[%dma_start3A_169, %dma_start3A_170, %dma_start3A_171] : memref<6x16x1024xf32, #tpu.memory_space<vmem>> -> memref<1x16x1024xf32, #tpu.memory_space<vmem>>
    %dma_start3A_173 = tpu.memref_squeeze %dma_start3A_172 : memref<1x16x1024xf32, #tpu.memory_space<vmem>> -> memref<16x1024xf32, #tpu.memory_space<vmem>>
    %dma_start3A_174 = arith.constant 0 : i32
    %dma_start3A_175 = tpu.memref_slice %arg4[%add3A_168, %dma_start3A_174] : memref<8192x1024xf32, #tpu.memory_space<hbm>> -> memref<16x1024xf32, #tpu.memory_space<hbm>>
    %dma_start3A_176 = arith.constant 0 : i32
    %dma_start3A_177 = tpu.memref_slice %arg4[%add3A_168, %dma_start3A_176] : memref<8192x1024xf32, #tpu.memory_space<hbm>> -> memref<16x1024xf32, #tpu.memory_space<hbm>>
    %dma_start3A_178 = arith.constant 0 : i32
    %dma_start3A_179 = arith.constant 0 : i32
    %dma_start3A_180 = tpu.memref_slice %arg6[%dma_start3A_169, %dma_start3A_178, %dma_start3A_179] : memref<6x16x1024xf32, #tpu.memory_space<vmem>> -> memref<1x16x1024xf32, #tpu.memory_space<vmem>>
    %dma_start3A_181 = tpu.memref_squeeze %dma_start3A_180 : memref<1x16x1024xf32, #tpu.memory_space<vmem>> -> memref<16x1024xf32, #tpu.memory_space<vmem>>
    tpu.enqueue_dma source(%dma_start3A_181 : memref<16x1024xf32, #tpu.memory_space<vmem>>) target(%dma_start3A_177 : memref<16x1024xf32, #tpu.memory_space<hbm>>) target_semaphore(%arg15 : memref<!tpu.dma_semaphore, #tpu.memory_space<semaphore_mem>>)
    %dma_wait3A_182 = arith.constant 2 : i32
    %dma_wait3A_183 = arith.constant 0 : i32
    %dma_wait3A_184 = arith.constant 0 : i32
    %dma_wait3A_185 = tpu.memref_slice %arg6[%dma_wait3A_182, %dma_wait3A_183, %dma_wait3A_184] : memref<6x16x1024xf32, #tpu.memory_space<vmem>> -> memref<1x16x1024xf32, #tpu.memory_space<vmem>>
    %dma_wait3A_186 = tpu.memref_squeeze %dma_wait3A_185 : memref<1x16x1024xf32, #tpu.memory_space<vmem>> -> memref<16x1024xf32, #tpu.memory_space<vmem>>
    %dma_wait3A_187 = arith.constant 0 : i32
    %dma_wait3A_188 = tpu.memref_slice %arg4[%add3A_168, %dma_wait3A_187] : memref<8192x1024xf32, #tpu.memory_space<hbm>> -> memref<16x1024xf32, #tpu.memory_space<hbm>>
    %dma_wait3A_189 = arith.constant 0 : i32
    %dma_wait3A_190 = tpu.memref_slice %arg4[%add3A_168, %dma_wait3A_189] : memref<8192x1024xf32, #tpu.memory_space<hbm>> -> memref<16x1024xf32, #tpu.memory_space<hbm>>
    %dma_wait3A_191 = arith.constant 0 : i32
    %dma_wait3A_192 = arith.constant 0 : i32
    %dma_wait3A_193 = tpu.memref_slice %arg6[%dma_wait3A_182, %dma_wait3A_191, %dma_wait3A_192] : memref<6x16x1024xf32, #tpu.memory_space<vmem>> -> memref<1x16x1024xf32, #tpu.memory_space<vmem>>
    %dma_wait3A_194 = tpu.memref_squeeze %dma_wait3A_193 : memref<1x16x1024xf32, #tpu.memory_space<vmem>> -> memref<16x1024xf32, #tpu.memory_space<vmem>>
    tpu.wait_dma2 semaphore(%arg15 : memref<!tpu.dma_semaphore, #tpu.memory_space<semaphore_mem>>) src(%dma_wait3A_194 : memref<16x1024xf32, #tpu.memory_space<vmem>>) dst(%dma_wait3A_190 : memref<16x1024xf32, #tpu.memory_space<hbm>>)
    %dma_start3A_195 = arith.constant 2 : i32
    %dma_start3A_196 = arith.constant 0 : i32
    %dma_start3A_197 = arith.constant 0 : i32
    %dma_start3A_198 = tpu.memref_slice %arg6[%dma_start3A_195, %dma_start3A_196, %dma_start3A_197] : memref<6x16x1024xf32, #tpu.memory_space<vmem>> -> memref<1x16x1024xf32, #tpu.memory_space<vmem>>
    %dma_start3A_199 = tpu.memref_squeeze %dma_start3A_198 : memref<1x16x1024xf32, #tpu.memory_space<vmem>> -> memref<16x1024xf32, #tpu.memory_space<vmem>>
    %dma_start3A_200 = arith.constant 128 : i32
    %dma_start3A_201 = tpu.memref_slice %arg5[%dma_start3A_200] : memref<256xi32, #tpu.memory_space<vmem>> -> memref<16xi32, #tpu.memory_space<vmem>>
    %dma_start3A_202 = arith.constant 0 : i32
    %dma_start3A_203 = arith.constant 0 : i32
    %dma_start3A_204 = tpu.memref_slice %arg3[%dma_start3A_202, %dma_start3A_203] : memref<100000x1024xf32, #tpu.memory_space<hbm>> -> memref<100000x1024xf32, #tpu.memory_space<hbm>>
    tpu.enqueue_indirect_dma source(%dma_start3A_204 : memref<100000x1024xf32, #tpu.memory_space<hbm>>) target(%dma_start3A_199 : memref<16x1024xf32, #tpu.memory_space<vmem>>) offsets(%dma_start3A_201 : memref<16xi32, #tpu.memory_space<vmem>>) semaphore(%arg9 : memref<!tpu.dma_semaphore, #tpu.memory_space<semaphore_mem>>)
    %dma_wait3A_205 = arith.constant 3 : i32
    %dma_wait3A_206 = arith.constant 0 : i32
    %dma_wait3A_207 = arith.constant 0 : i32
    %dma_wait3A_208 = tpu.memref_slice %arg6[%dma_wait3A_205, %dma_wait3A_206, %dma_wait3A_207] : memref<6x16x1024xf32, #tpu.memory_space<vmem>> -> memref<1x16x1024xf32, #tpu.memory_space<vmem>>
    %dma_wait3A_209 = tpu.memref_squeeze %dma_wait3A_208 : memref<1x16x1024xf32, #tpu.memory_space<vmem>> -> memref<16x1024xf32, #tpu.memory_space<vmem>>
    %dma_wait3A_210 = arith.constant 48 : i32
    %dma_wait3A_211 = tpu.memref_slice %arg5[%dma_wait3A_210] : memref<256xi32, #tpu.memory_space<vmem>> -> memref<16xi32, #tpu.memory_space<vmem>>
    %dma_wait3A_212 = arith.constant 0 : i32
    %dma_wait3A_213 = arith.constant 0 : i32
    %dma_wait3A_214 = tpu.memref_slice %arg3[%dma_wait3A_212, %dma_wait3A_213] : memref<100000x1024xf32, #tpu.memory_space<hbm>> -> memref<100000x1024xf32, #tpu.memory_space<hbm>>
    tpu.wait_indirect_dma semaphore(%arg10 : memref<!tpu.dma_semaphore, #tpu.memory_space<semaphore_mem>>) src(%dma_wait3A_214 : memref<100000x1024xf32, #tpu.memory_space<hbm>>) dst(%dma_wait3A_209 : memref<16x1024xf32, #tpu.memory_space<vmem>>)
    %add3A_215 = arith.constant 48 : i32
    %add3A_216 = arith.addi %mul3A_2, %add3A_215 : i32
    %dma_start3A_217 = arith.constant 3 : i32
    %dma_start3A_218 = arith.constant 0 : i32
    %dma_start3A_219 = arith.constant 0 : i32
    %dma_start3A_220 = tpu.memref_slice %arg6[%dma_start3A_217, %dma_start3A_218, %dma_start3A_219] : memref<6x16x1024xf32, #tpu.memory_space<vmem>> -> memref<1x16x1024xf32, #tpu.memory_space<vmem>>
    %dma_start3A_221 = tpu.memref_squeeze %dma_start3A_220 : memref<1x16x1024xf32, #tpu.memory_space<vmem>> -> memref<16x1024xf32, #tpu.memory_space<vmem>>
    %dma_start3A_222 = arith.constant 0 : i32
    %dma_start3A_223 = tpu.memref_slice %arg4[%add3A_216, %dma_start3A_222] : memref<8192x1024xf32, #tpu.memory_space<hbm>> -> memref<16x1024xf32, #tpu.memory_space<hbm>>
    %dma_start3A_224 = arith.constant 0 : i32
    %dma_start3A_225 = tpu.memref_slice %arg4[%add3A_216, %dma_start3A_224] : memref<8192x1024xf32, #tpu.memory_space<hbm>> -> memref<16x1024xf32, #tpu.memory_space<hbm>>
    %dma_start3A_226 = arith.constant 0 : i32
    %dma_start3A_227 = arith.constant 0 : i32
    %dma_start3A_228 = tpu.memref_slice %arg6[%dma_start3A_217, %dma_start3A_226, %dma_start3A_227] : memref<6x16x1024xf32, #tpu.memory_space<vmem>> -> memref<1x16x1024xf32, #tpu.memory_space<vmem>>
    %dma_start3A_229 = tpu.memref_squeeze %dma_start3A_228 : memref<1x16x1024xf32, #tpu.memory_space<vmem>> -> memref<16x1024xf32, #tpu.memory_space<vmem>>
    tpu.enqueue_dma source(%dma_start3A_229 : memref<16x1024xf32, #tpu.memory_space<vmem>>) target(%dma_start3A_225 : memref<16x1024xf32, #tpu.memory_space<hbm>>) target_semaphore(%arg16 : memref<!tpu.dma_semaphore, #tpu.memory_space<semaphore_mem>>)
    %dma_wait3A_230 = arith.constant 3 : i32
    %dma_wait3A_231 = arith.constant 0 : i32
    %dma_wait3A_232 = arith.constant 0 : i32
    %dma_wait3A_233 = tpu.memref_slice %arg6[%dma_wait3A_230, %dma_wait3A_231, %dma_wait3A_232] : memref<6x16x1024xf32, #tpu.memory_space<vmem>> -> memref<1x16x1024xf32, #tpu.memory_space<vmem>>
    %dma_wait3A_234 = tpu.memref_squeeze %dma_wait3A_233 : memref<1x16x1024xf32, #tpu.memory_space<vmem>> -> memref<16x1024xf32, #tpu.memory_space<vmem>>
    %dma_wait3A_235 = arith.constant 0 : i32
    %dma_wait3A_236 = tpu.memref_slice %arg4[%add3A_216, %dma_wait3A_235] : memref<8192x1024xf32, #tpu.memory_space<hbm>> -> memref<16x1024xf32, #tpu.memory_space<hbm>>
    %dma_wait3A_237 = arith.constant 0 : i32
    %dma_wait3A_238 = tpu.memref_slice %arg4[%add3A_216, %dma_wait3A_237] : memref<8192x1024xf32, #tpu.memory_space<hbm>> -> memref<16x1024xf32, #tpu.memory_space<hbm>>
    %dma_wait3A_239 = arith.constant 0 : i32
    %dma_wait3A_240 = arith.constant 0 : i32
    %dma_wait3A_241 = tpu.memref_slice %arg6[%dma_wait3A_230, %dma_wait3A_239, %dma_wait3A_240] : memref<6x16x1024xf32, #tpu.memory_space<vmem>> -> memref<1x16x1024xf32, #tpu.memory_space<vmem>>
    %dma_wait3A_242 = tpu.memref_squeeze %dma_wait3A_241 : memref<1x16x1024xf32, #tpu.memory_space<vmem>> -> memref<16x1024xf32, #tpu.memory_space<vmem>>
    tpu.wait_dma2 semaphore(%arg16 : memref<!tpu.dma_semaphore, #tpu.memory_space<semaphore_mem>>) src(%dma_wait3A_242 : memref<16x1024xf32, #tpu.memory_space<vmem>>) dst(%dma_wait3A_238 : memref<16x1024xf32, #tpu.memory_space<hbm>>)
    %dma_start3A_243 = arith.constant 3 : i32
    %dma_start3A_244 = arith.constant 0 : i32
    %dma_start3A_245 = arith.constant 0 : i32
    %dma_start3A_246 = tpu.memref_slice %arg6[%dma_start3A_243, %dma_start3A_244, %dma_start3A_245] : memref<6x16x1024xf32, #tpu.memory_space<vmem>> -> memref<1x16x1024xf32, #tpu.memory_space<vmem>>
    %dma_start3A_247 = tpu.memref_squeeze %dma_start3A_246 : memref<1x16x1024xf32, #tpu.memory_space<vmem>> -> memref<16x1024xf32, #tpu.memory_space<vmem>>
    %dma_start3A_248 = arith.constant 144 : i32
    %dma_start3A_249 = tpu.memref_slice %arg5[%dma_start3A_248] : memref<256xi32, #tpu.memory_space<vmem>> -> memref<16xi32, #tpu.memory_space<vmem>>
    %dma_start3A_250 = arith.constant 0 : i32
    %dma_start3A_251 = arith.constant 0 : i32
    %dma_start3A_252 = tpu.memref_slice %arg3[%dma_start3A_250, %dma_start3A_251] : memref<100000x1024xf32, #tpu.memory_space<hbm>> -> memref<100000x1024xf32, #tpu.memory_space<hbm>>
    tpu.enqueue_indirect_dma source(%dma_start3A_252 : memref<100000x1024xf32, #tpu.memory_space<hbm>>) target(%dma_start3A_247 : memref<16x1024xf32, #tpu.memory_space<vmem>>) offsets(%dma_start3A_249 : memref<16xi32, #tpu.memory_space<vmem>>) semaphore(%arg10 : memref<!tpu.dma_semaphore, #tpu.memory_space<semaphore_mem>>)
    %dma_wait3A_253 = arith.constant 4 : i32
    %dma_wait3A_254 = arith.constant 0 : i32
    %dma_wait3A_255 = arith.constant 0 : i32
    %dma_wait3A_256 = tpu.memref_slice %arg6[%dma_wait3A_253, %dma_wait3A_254, %dma_wait3A_255] : memref<6x16x1024xf32, #tpu.memory_space<vmem>> -> memref<1x16x1024xf32, #tpu.memory_space<vmem>>
    %dma_wait3A_257 = tpu.memref_squeeze %dma_wait3A_256 : memref<1x16x1024xf32, #tpu.memory_space<vmem>> -> memref<16x1024xf32, #tpu.memory_space<vmem>>
    %dma_wait3A_258 = arith.constant 64 : i32
    %dma_wait3A_259 = tpu.memref_slice %arg5[%dma_wait3A_258] : memref<256xi32, #tpu.memory_space<vmem>> -> memref<16xi32, #tpu.memory_space<vmem>>
    %dma_wait3A_260 = arith.constant 0 : i32
    %dma_wait3A_261 = arith.constant 0 : i32
    %dma_wait3A_262 = tpu.memref_slice %arg3[%dma_wait3A_260, %dma_wait3A_261] : memref<100000x1024xf32, #tpu.memory_space<hbm>> -> memref<100000x1024xf32, #tpu.memory_space<hbm>>
    tpu.wait_indirect_dma semaphore(%arg11 : memref<!tpu.dma_semaphore, #tpu.memory_space<semaphore_mem>>) src(%dma_wait3A_262 : memref<100000x1024xf32, #tpu.memory_space<hbm>>) dst(%dma_wait3A_257 : memref<16x1024xf32, #tpu.memory_space<vmem>>)
    %add3A_263 = arith.constant 64 : i32
    %add3A_264 = arith.addi %mul3A_2, %add3A_263 : i32
    %dma_start3A_265 = arith.constant 4 : i32
    %dma_start3A_266 = arith.constant 0 : i32
    %dma_start3A_267 = arith.constant 0 : i32
    %dma_start3A_268 = tpu.memref_slice %arg6[%dma_start3A_265, %dma_start3A_266, %dma_start3A_267] : memref<6x16x1024xf32, #tpu.memory_space<vmem>> -> memref<1x16x1024xf32, #tpu.memory_space<vmem>>
    %dma_start3A_269 = tpu.memref_squeeze %dma_start3A_268 : memref<1x16x1024xf32, #tpu.memory_space<vmem>> -> memref<16x1024xf32, #tpu.memory_space<vmem>>
    %dma_start3A_270 = arith.constant 0 : i32
    %dma_start3A_271 = tpu.memref_slice %arg4[%add3A_264, %dma_start3A_270] : memref<8192x1024xf32, #tpu.memory_space<hbm>> -> memref<16x1024xf32, #tpu.memory_space<hbm>>
    %dma_start3A_272 = arith.constant 0 : i32
    %dma_start3A_273 = tpu.memref_slice %arg4[%add3A_264, %dma_start3A_272] : memref<8192x1024xf32, #tpu.memory_space<hbm>> -> memref<16x1024xf32, #tpu.memory_space<hbm>>
    %dma_start3A_274 = arith.constant 0 : i32
    %dma_start3A_275 = arith.constant 0 : i32
    %dma_start3A_276 = tpu.memref_slice %arg6[%dma_start3A_265, %dma_start3A_274, %dma_start3A_275] : memref<6x16x1024xf32, #tpu.memory_space<vmem>> -> memref<1x16x1024xf32, #tpu.memory_space<vmem>>
    %dma_start3A_277 = tpu.memref_squeeze %dma_start3A_276 : memref<1x16x1024xf32, #tpu.memory_space<vmem>> -> memref<16x1024xf32, #tpu.memory_space<vmem>>
    tpu.enqueue_dma source(%dma_start3A_277 : memref<16x1024xf32, #tpu.memory_space<vmem>>) target(%dma_start3A_273 : memref<16x1024xf32, #tpu.memory_space<hbm>>) target_semaphore(%arg17 : memref<!tpu.dma_semaphore, #tpu.memory_space<semaphore_mem>>)
    %dma_wait3A_278 = arith.constant 4 : i32
    %dma_wait3A_279 = arith.constant 0 : i32
    %dma_wait3A_280 = arith.constant 0 : i32
    %dma_wait3A_281 = tpu.memref_slice %arg6[%dma_wait3A_278, %dma_wait3A_279, %dma_wait3A_280] : memref<6x16x1024xf32, #tpu.memory_space<vmem>> -> memref<1x16x1024xf32, #tpu.memory_space<vmem>>
    %dma_wait3A_282 = tpu.memref_squeeze %dma_wait3A_281 : memref<1x16x1024xf32, #tpu.memory_space<vmem>> -> memref<16x1024xf32, #tpu.memory_space<vmem>>
    %dma_wait3A_283 = arith.constant 0 : i32
    %dma_wait3A_284 = tpu.memref_slice %arg4[%add3A_264, %dma_wait3A_283] : memref<8192x1024xf32, #tpu.memory_space<hbm>> -> memref<16x1024xf32, #tpu.memory_space<hbm>>
    %dma_wait3A_285 = arith.constant 0 : i32
    %dma_wait3A_286 = tpu.memref_slice %arg4[%add3A_264, %dma_wait3A_285] : memref<8192x1024xf32, #tpu.memory_space<hbm>> -> memref<16x1024xf32, #tpu.memory_space<hbm>>
    %dma_wait3A_287 = arith.constant 0 : i32
    %dma_wait3A_288 = arith.constant 0 : i32
    %dma_wait3A_289 = tpu.memref_slice %arg6[%dma_wait3A_278, %dma_wait3A_287, %dma_wait3A_288] : memref<6x16x1024xf32, #tpu.memory_space<vmem>> -> memref<1x16x1024xf32, #tpu.memory_space<vmem>>
    %dma_wait3A_290 = tpu.memref_squeeze %dma_wait3A_289 : memref<1x16x1024xf32, #tpu.memory_space<vmem>> -> memref<16x1024xf32, #tpu.memory_space<vmem>>
    tpu.wait_dma2 semaphore(%arg17 : memref<!tpu.dma_semaphore, #tpu.memory_space<semaphore_mem>>) src(%dma_wait3A_290 : memref<16x1024xf32, #tpu.memory_space<vmem>>) dst(%dma_wait3A_286 : memref<16x1024xf32, #tpu.memory_space<hbm>>)
    %dma_start3A_291 = arith.constant 4 : i32
    %dma_start3A_292 = arith.constant 0 : i32
    %dma_start3A_293 = arith.constant 0 : i32
    %dma_start3A_294 = tpu.memref_slice %arg6[%dma_start3A_291, %dma_start3A_292, %dma_start3A_293] : memref<6x16x1024xf32, #tpu.memory_space<vmem>> -> memref<1x16x1024xf32, #tpu.memory_space<vmem>>
    %dma_start3A_295 = tpu.memref_squeeze %dma_start3A_294 : memref<1x16x1024xf32, #tpu.memory_space<vmem>> -> memref<16x1024xf32, #tpu.memory_space<vmem>>
    %dma_start3A_296 = arith.constant 160 : i32
    %dma_start3A_297 = tpu.memref_slice %arg5[%dma_start3A_296] : memref<256xi32, #tpu.memory_space<vmem>> -> memref<16xi32, #tpu.memory_space<vmem>>
    %dma_start3A_298 = arith.constant 0 : i32
    %dma_start3A_299 = arith.constant 0 : i32
    %dma_start3A_300 = tpu.memref_slice %arg3[%dma_start3A_298, %dma_start3A_299] : memref<100000x1024xf32, #tpu.memory_space<hbm>> -> memref<100000x1024xf32, #tpu.memory_space<hbm>>
    tpu.enqueue_indirect_dma source(%dma_start3A_300 : memref<100000x1024xf32, #tpu.memory_space<hbm>>) target(%dma_start3A_295 : memref<16x1024xf32, #tpu.memory_space<vmem>>) offsets(%dma_start3A_297 : memref<16xi32, #tpu.memory_space<vmem>>) semaphore(%arg11 : memref<!tpu.dma_semaphore, #tpu.memory_space<semaphore_mem>>)
    %dma_wait3A_301 = arith.constant 5 : i32
    %dma_wait3A_302 = arith.constant 0 : i32
    %dma_wait3A_303 = arith.constant 0 : i32
    %dma_wait3A_304 = tpu.memref_slice %arg6[%dma_wait3A_301, %dma_wait3A_302, %dma_wait3A_303] : memref<6x16x1024xf32, #tpu.memory_space<vmem>> -> memref<1x16x1024xf32, #tpu.memory_space<vmem>>
    %dma_wait3A_305 = tpu.memref_squeeze %dma_wait3A_304 : memref<1x16x1024xf32, #tpu.memory_space<vmem>> -> memref<16x1024xf32, #tpu.memory_space<vmem>>
    %dma_wait3A_306 = arith.constant 80 : i32
    %dma_wait3A_307 = tpu.memref_slice %arg5[%dma_wait3A_306] : memref<256xi32, #tpu.memory_space<vmem>> -> memref<16xi32, #tpu.memory_space<vmem>>
    %dma_wait3A_308 = arith.constant 0 : i32
    %dma_wait3A_309 = arith.constant 0 : i32
    %dma_wait3A_310 = tpu.memref_slice %arg3[%dma_wait3A_308, %dma_wait3A_309] : memref<100000x1024xf32, #tpu.memory_space<hbm>> -> memref<100000x1024xf32, #tpu.memory_space<hbm>>
    tpu.wait_indirect_dma semaphore(%arg12 : memref<!tpu.dma_semaphore, #tpu.memory_space<semaphore_mem>>) src(%dma_wait3A_310 : memref<100000x1024xf32, #tpu.memory_space<hbm>>) dst(%dma_wait3A_305 : memref<16x1024xf32, #tpu.memory_space<vmem>>)
    %add3A_311 = arith.constant 80 : i32
    %add3A_312 = arith.addi %mul3A_2, %add3A_311 : i32
    %dma_start3A_313 = arith.constant 5 : i32
    %dma_start3A_314 = arith.constant 0 : i32
    %dma_start3A_315 = arith.constant 0 : i32
    %dma_start3A_316 = tpu.memref_slice %arg6[%dma_start3A_313, %dma_start3A_314, %dma_start3A_315] : memref<6x16x1024xf32, #tpu.memory_space<vmem>> -> memref<1x16x1024xf32, #tpu.memory_space<vmem>>
    %dma_start3A_317 = tpu.memref_squeeze %dma_start3A_316 : memref<1x16x1024xf32, #tpu.memory_space<vmem>> -> memref<16x1024xf32, #tpu.memory_space<vmem>>
    %dma_start3A_318 = arith.constant 0 : i32
    %dma_start3A_319 = tpu.memref_slice %arg4[%add3A_312, %dma_start3A_318] : memref<8192x1024xf32, #tpu.memory_space<hbm>> -> memref<16x1024xf32, #tpu.memory_space<hbm>>
    %dma_start3A_320 = arith.constant 0 : i32
    %dma_start3A_321 = tpu.memref_slice %arg4[%add3A_312, %dma_start3A_320] : memref<8192x1024xf32, #tpu.memory_space<hbm>> -> memref<16x1024xf32, #tpu.memory_space<hbm>>
    %dma_start3A_322 = arith.constant 0 : i32
    %dma_start3A_323 = arith.constant 0 : i32
    %dma_start3A_324 = tpu.memref_slice %arg6[%dma_start3A_313, %dma_start3A_322, %dma_start3A_323] : memref<6x16x1024xf32, #tpu.memory_space<vmem>> -> memref<1x16x1024xf32, #tpu.memory_space<vmem>>
    %dma_start3A_325 = tpu.memref_squeeze %dma_start3A_324 : memref<1x16x1024xf32, #tpu.memory_space<vmem>> -> memref<16x1024xf32, #tpu.memory_space<vmem>>
    tpu.enqueue_dma source(%dma_start3A_325 : memref<16x1024xf32, #tpu.memory_space<vmem>>) target(%dma_start3A_321 : memref<16x1024xf32, #tpu.memory_space<hbm>>) target_semaphore(%arg18 : memref<!tpu.dma_semaphore, #tpu.memory_space<semaphore_mem>>)
    %dma_wait3A_326 = arith.constant 5 : i32
    %dma_wait3A_327 = arith.constant 0 : i32
    %dma_wait3A_328 = arith.constant 0 : i32
    %dma_wait3A_329 = tpu.memref_slice %arg6[%dma_wait3A_326, %dma_wait3A_327, %dma_wait3A_328] : memref<6x16x1024xf32, #tpu.memory_space<vmem>> -> memref<1x16x1024xf32, #tpu.memory_space<vmem>>
    %dma_wait3A_330 = tpu.memref_squeeze %dma_wait3A_329 : memref<1x16x1024xf32, #tpu.memory_space<vmem>> -> memref<16x1024xf32, #tpu.memory_space<vmem>>
    %dma_wait3A_331 = arith.constant 0 : i32
    %dma_wait3A_332 = tpu.memref_slice %arg4[%add3A_312, %dma_wait3A_331] : memref<8192x1024xf32, #tpu.memory_space<hbm>> -> memref<16x1024xf32, #tpu.memory_space<hbm>>
    %dma_wait3A_333 = arith.constant 0 : i32
    %dma_wait3A_334 = tpu.memref_slice %arg4[%add3A_312, %dma_wait3A_333] : memref<8192x1024xf32, #tpu.memory_space<hbm>> -> memref<16x1024xf32, #tpu.memory_space<hbm>>
    %dma_wait3A_335 = arith.constant 0 : i32
    %dma_wait3A_336 = arith.constant 0 : i32
    %dma_wait3A_337 = tpu.memref_slice %arg6[%dma_wait3A_326, %dma_wait3A_335, %dma_wait3A_336] : memref<6x16x1024xf32, #tpu.memory_space<vmem>> -> memref<1x16x1024xf32, #tpu.memory_space<vmem>>
    %dma_wait3A_338 = tpu.memref_squeeze %dma_wait3A_337 : memref<1x16x1024xf32, #tpu.memory_space<vmem>> -> memref<16x1024xf32, #tpu.memory_space<vmem>>
    tpu.wait_dma2 semaphore(%arg18 : memref<!tpu.dma_semaphore, #tpu.memory_space<semaphore_mem>>) src(%dma_wait3A_338 : memref<16x1024xf32, #tpu.memory_space<vmem>>) dst(%dma_wait3A_334 : memref<16x1024xf32, #tpu.memory_space<hbm>>)
    %dma_start3A_339 = arith.constant 5 : i32
    %dma_start3A_340 = arith.constant 0 : i32
    %dma_start3A_341 = arith.constant 0 : i32
    %dma_start3A_342 = tpu.memref_slice %arg6[%dma_start3A_339, %dma_start3A_340, %dma_start3A_341] : memref<6x16x1024xf32, #tpu.memory_space<vmem>> -> memref<1x16x1024xf32, #tpu.memory_space<vmem>>
    %dma_start3A_343 = tpu.memref_squeeze %dma_start3A_342 : memref<1x16x1024xf32, #tpu.memory_space<vmem>> -> memref<16x1024xf32, #tpu.memory_space<vmem>>
    %dma_start3A_344 = arith.constant 176 : i32
    %dma_start3A_345 = tpu.memref_slice %arg5[%dma_start3A_344] : memref<256xi32, #tpu.memory_space<vmem>> -> memref<16xi32, #tpu.memory_space<vmem>>
    %dma_start3A_346 = arith.constant 0 : i32
    %dma_start3A_347 = arith.constant 0 : i32
    %dma_start3A_348 = tpu.memref_slice %arg3[%dma_start3A_346, %dma_start3A_347] : memref<100000x1024xf32, #tpu.memory_space<hbm>> -> memref<100000x1024xf32, #tpu.memory_space<hbm>>
    tpu.enqueue_indirect_dma source(%dma_start3A_348 : memref<100000x1024xf32, #tpu.memory_space<hbm>>) target(%dma_start3A_343 : memref<16x1024xf32, #tpu.memory_space<vmem>>) offsets(%dma_start3A_345 : memref<16xi32, #tpu.memory_space<vmem>>) semaphore(%arg12 : memref<!tpu.dma_semaphore, #tpu.memory_space<semaphore_mem>>)
    %dma_wait3A_349 = arith.constant 0 : i32
    %dma_wait3A_350 = arith.constant 0 : i32
    %dma_wait3A_351 = arith.constant 0 : i32
    %dma_wait3A_352 = tpu.memref_slice %arg6[%dma_wait3A_349, %dma_wait3A_350, %dma_wait3A_351] : memref<6x16x1024xf32, #tpu.memory_space<vmem>> -> memref<1x16x1024xf32, #tpu.memory_space<vmem>>
    %dma_wait3A_353 = tpu.memref_squeeze %dma_wait3A_352 : memref<1x16x1024xf32, #tpu.memory_space<vmem>> -> memref<16x1024xf32, #tpu.memory_space<vmem>>
    %dma_wait3A_354 = arith.constant 96 : i32
    %dma_wait3A_355 = tpu.memref_slice %arg5[%dma_wait3A_354] : memref<256xi32, #tpu.memory_space<vmem>> -> memref<16xi32, #tpu.memory_space<vmem>>
    %dma_wait3A_356 = arith.constant 0 : i32
    %dma_wait3A_357 = arith.constant 0 : i32
    %dma_wait3A_358 = tpu.memref_slice %arg3[%dma_wait3A_356, %dma_wait3A_357] : memref<100000x1024xf32, #tpu.memory_space<hbm>> -> memref<100000x1024xf32, #tpu.memory_space<hbm>>
    tpu.wait_indirect_dma semaphore(%arg7 : memref<!tpu.dma_semaphore, #tpu.memory_space<semaphore_mem>>) src(%dma_wait3A_358 : memref<100000x1024xf32, #tpu.memory_space<hbm>>) dst(%dma_wait3A_353 : memref<16x1024xf32, #tpu.memory_space<vmem>>)
    %add3A_359 = arith.constant 96 : i32
    %add3A_360 = arith.addi %mul3A_2, %add3A_359 : i32
    %dma_start3A_361 = arith.constant 0 : i32
    %dma_start3A_362 = arith.constant 0 : i32
    %dma_start3A_363 = arith.constant 0 : i32
    %dma_start3A_364 = tpu.memref_slice %arg6[%dma_start3A_361, %dma_start3A_362, %dma_start3A_363] : memref<6x16x1024xf32, #tpu.memory_space<vmem>> -> memref<1x16x1024xf32, #tpu.memory_space<vmem>>
    %dma_start3A_365 = tpu.memref_squeeze %dma_start3A_364 : memref<1x16x1024xf32, #tpu.memory_space<vmem>> -> memref<16x1024xf32, #tpu.memory_space<vmem>>
    %dma_start3A_366 = arith.constant 0 : i32
    %dma_start3A_367 = tpu.memref_slice %arg4[%add3A_360, %dma_start3A_366] : memref<8192x1024xf32, #tpu.memory_space<hbm>> -> memref<16x1024xf32, #tpu.memory_space<hbm>>
    %dma_start3A_368 = arith.constant 0 : i32
    %dma_start3A_369 = tpu.memref_slice %arg4[%add3A_360, %dma_start3A_368] : memref<8192x1024xf32, #tpu.memory_space<hbm>> -> memref<16x1024xf32, #tpu.memory_space<hbm>>
    %dma_start3A_370 = arith.constant 0 : i32
    %dma_start3A_371 = arith.constant 0 : i32
    %dma_start3A_372 = tpu.memref_slice %arg6[%dma_start3A_361, %dma_start3A_370, %dma_start3A_371] : memref<6x16x1024xf32, #tpu.memory_space<vmem>> -> memref<1x16x1024xf32, #tpu.memory_space<vmem>>
    %dma_start3A_373 = tpu.memref_squeeze %dma_start3A_372 : memref<1x16x1024xf32, #tpu.memory_space<vmem>> -> memref<16x1024xf32, #tpu.memory_space<vmem>>
    tpu.enqueue_dma source(%dma_start3A_373 : memref<16x1024xf32, #tpu.memory_space<vmem>>) target(%dma_start3A_369 : memref<16x1024xf32, #tpu.memory_space<hbm>>) target_semaphore(%arg13 : memref<!tpu.dma_semaphore, #tpu.memory_space<semaphore_mem>>)
    %dma_wait3A_374 = arith.constant 0 : i32
    %dma_wait3A_375 = arith.constant 0 : i32
    %dma_wait3A_376 = arith.constant 0 : i32
    %dma_wait3A_377 = tpu.memref_slice %arg6[%dma_wait3A_374, %dma_wait3A_375, %dma_wait3A_376] : memref<6x16x1024xf32, #tpu.memory_space<vmem>> -> memref<1x16x1024xf32, #tpu.memory_space<vmem>>
    %dma_wait3A_378 = tpu.memref_squeeze %dma_wait3A_377 : memref<1x16x1024xf32, #tpu.memory_space<vmem>> -> memref<16x1024xf32, #tpu.memory_space<vmem>>
    %dma_wait3A_379 = arith.constant 0 : i32
    %dma_wait3A_380 = tpu.memref_slice %arg4[%add3A_360, %dma_wait3A_379] : memref<8192x1024xf32, #tpu.memory_space<hbm>> -> memref<16x1024xf32, #tpu.memory_space<hbm>>
    %dma_wait3A_381 = arith.constant 0 : i32
    %dma_wait3A_382 = tpu.memref_slice %arg4[%add3A_360, %dma_wait3A_381] : memref<8192x1024xf32, #tpu.memory_space<hbm>> -> memref<16x1024xf32, #tpu.memory_space<hbm>>
    %dma_wait3A_383 = arith.constant 0 : i32
    %dma_wait3A_384 = arith.constant 0 : i32
    %dma_wait3A_385 = tpu.memref_slice %arg6[%dma_wait3A_374, %dma_wait3A_383, %dma_wait3A_384] : memref<6x16x1024xf32, #tpu.memory_space<vmem>> -> memref<1x16x1024xf32, #tpu.memory_space<vmem>>
    %dma_wait3A_386 = tpu.memref_squeeze %dma_wait3A_385 : memref<1x16x1024xf32, #tpu.memory_space<vmem>> -> memref<16x1024xf32, #tpu.memory_space<vmem>>
    tpu.wait_dma2 semaphore(%arg13 : memref<!tpu.dma_semaphore, #tpu.memory_space<semaphore_mem>>) src(%dma_wait3A_386 : memref<16x1024xf32, #tpu.memory_space<vmem>>) dst(%dma_wait3A_382 : memref<16x1024xf32, #tpu.memory_space<hbm>>)
    %dma_start3A_387 = arith.constant 0 : i32
    %dma_start3A_388 = arith.constant 0 : i32
    %dma_start3A_389 = arith.constant 0 : i32
    %dma_start3A_390 = tpu.memref_slice %arg6[%dma_start3A_387, %dma_start3A_388, %dma_start3A_389] : memref<6x16x1024xf32, #tpu.memory_space<vmem>> -> memref<1x16x1024xf32, #tpu.memory_space<vmem>>
    %dma_start3A_391 = tpu.memref_squeeze %dma_start3A_390 : memref<1x16x1024xf32, #tpu.memory_space<vmem>> -> memref<16x1024xf32, #tpu.memory_space<vmem>>
    %dma_start3A_392 = arith.constant 192 : i32
    %dma_start3A_393 = tpu.memref_slice %arg5[%dma_start3A_392] : memref<256xi32, #tpu.memory_space<vmem>> -> memref<16xi32, #tpu.memory_space<vmem>>
    %dma_start3A_394 = arith.constant 0 : i32
    %dma_start3A_395 = arith.constant 0 : i32
    %dma_start3A_396 = tpu.memref_slice %arg3[%dma_start3A_394, %dma_start3A_395] : memref<100000x1024xf32, #tpu.memory_space<hbm>> -> memref<100000x1024xf32, #tpu.memory_space<hbm>>
    tpu.enqueue_indirect_dma source(%dma_start3A_396 : memref<100000x1024xf32, #tpu.memory_space<hbm>>) target(%dma_start3A_391 : memref<16x1024xf32, #tpu.memory_space<vmem>>) offsets(%dma_start3A_393 : memref<16xi32, #tpu.memory_space<vmem>>) semaphore(%arg7 : memref<!tpu.dma_semaphore, #tpu.memory_space<semaphore_mem>>)
    %dma_wait3A_397 = arith.constant 1 : i32
    %dma_wait3A_398 = arith.constant 0 : i32
    %dma_wait3A_399 = arith.constant 0 : i32
    %dma_wait3A_400 = tpu.memref_slice %arg6[%dma_wait3A_397, %dma_wait3A_398, %dma_wait3A_399] : memref<6x16x1024xf32, #tpu.memory_space<vmem>> -> memref<1x16x1024xf32, #tpu.memory_space<vmem>>
    %dma_wait3A_401 = tpu.memref_squeeze %dma_wait3A_400 : memref<1x16x1024xf32, #tpu.memory_space<vmem>> -> memref<16x1024xf32, #tpu.memory_space<vmem>>
    %dma_wait3A_402 = arith.constant 112 : i32
    %dma_wait3A_403 = tpu.memref_slice %arg5[%dma_wait3A_402] : memref<256xi32, #tpu.memory_space<vmem>> -> memref<16xi32, #tpu.memory_space<vmem>>
    %dma_wait3A_404 = arith.constant 0 : i32
    %dma_wait3A_405 = arith.constant 0 : i32
    %dma_wait3A_406 = tpu.memref_slice %arg3[%dma_wait3A_404, %dma_wait3A_405] : memref<100000x1024xf32, #tpu.memory_space<hbm>> -> memref<100000x1024xf32, #tpu.memory_space<hbm>>
    tpu.wait_indirect_dma semaphore(%arg8 : memref<!tpu.dma_semaphore, #tpu.memory_space<semaphore_mem>>) src(%dma_wait3A_406 : memref<100000x1024xf32, #tpu.memory_space<hbm>>) dst(%dma_wait3A_401 : memref<16x1024xf32, #tpu.memory_space<vmem>>)
    %add3A_407 = arith.constant 112 : i32
    %add3A_408 = arith.addi %mul3A_2, %add3A_407 : i32
    %dma_start3A_409 = arith.constant 1 : i32
    %dma_start3A_410 = arith.constant 0 : i32
    %dma_start3A_411 = arith.constant 0 : i32
    %dma_start3A_412 = tpu.memref_slice %arg6[%dma_start3A_409, %dma_start3A_410, %dma_start3A_411] : memref<6x16x1024xf32, #tpu.memory_space<vmem>> -> memref<1x16x1024xf32, #tpu.memory_space<vmem>>
    %dma_start3A_413 = tpu.memref_squeeze %dma_start3A_412 : memref<1x16x1024xf32, #tpu.memory_space<vmem>> -> memref<16x1024xf32, #tpu.memory_space<vmem>>
    %dma_start3A_414 = arith.constant 0 : i32
    %dma_start3A_415 = tpu.memref_slice %arg4[%add3A_408, %dma_start3A_414] : memref<8192x1024xf32, #tpu.memory_space<hbm>> -> memref<16x1024xf32, #tpu.memory_space<hbm>>
    %dma_start3A_416 = arith.constant 0 : i32
    %dma_start3A_417 = tpu.memref_slice %arg4[%add3A_408, %dma_start3A_416] : memref<8192x1024xf32, #tpu.memory_space<hbm>> -> memref<16x1024xf32, #tpu.memory_space<hbm>>
    %dma_start3A_418 = arith.constant 0 : i32
    %dma_start3A_419 = arith.constant 0 : i32
    %dma_start3A_420 = tpu.memref_slice %arg6[%dma_start3A_409, %dma_start3A_418, %dma_start3A_419] : memref<6x16x1024xf32, #tpu.memory_space<vmem>> -> memref<1x16x1024xf32, #tpu.memory_space<vmem>>
    %dma_start3A_421 = tpu.memref_squeeze %dma_start3A_420 : memref<1x16x1024xf32, #tpu.memory_space<vmem>> -> memref<16x1024xf32, #tpu.memory_space<vmem>>
    tpu.enqueue_dma source(%dma_start3A_421 : memref<16x1024xf32, #tpu.memory_space<vmem>>) target(%dma_start3A_417 : memref<16x1024xf32, #tpu.memory_space<hbm>>) target_semaphore(%arg14 : memref<!tpu.dma_semaphore, #tpu.memory_space<semaphore_mem>>)
    %dma_wait3A_422 = arith.constant 1 : i32
    %dma_wait3A_423 = arith.constant 0 : i32
    %dma_wait3A_424 = arith.constant 0 : i32
    %dma_wait3A_425 = tpu.memref_slice %arg6[%dma_wait3A_422, %dma_wait3A_423, %dma_wait3A_424] : memref<6x16x1024xf32, #tpu.memory_space<vmem>> -> memref<1x16x1024xf32, #tpu.memory_space<vmem>>
    %dma_wait3A_426 = tpu.memref_squeeze %dma_wait3A_425 : memref<1x16x1024xf32, #tpu.memory_space<vmem>> -> memref<16x1024xf32, #tpu.memory_space<vmem>>
    %dma_wait3A_427 = arith.constant 0 : i32
    %dma_wait3A_428 = tpu.memref_slice %arg4[%add3A_408, %dma_wait3A_427] : memref<8192x1024xf32, #tpu.memory_space<hbm>> -> memref<16x1024xf32, #tpu.memory_space<hbm>>
    %dma_wait3A_429 = arith.constant 0 : i32
    %dma_wait3A_430 = tpu.memref_slice %arg4[%add3A_408, %dma_wait3A_429] : memref<8192x1024xf32, #tpu.memory_space<hbm>> -> memref<16x1024xf32, #tpu.memory_space<hbm>>
    %dma_wait3A_431 = arith.constant 0 : i32
    %dma_wait3A_432 = arith.constant 0 : i32
    %dma_wait3A_433 = tpu.memref_slice %arg6[%dma_wait3A_422, %dma_wait3A_431, %dma_wait3A_432] : memref<6x16x1024xf32, #tpu.memory_space<vmem>> -> memref<1x16x1024xf32, #tpu.memory_space<vmem>>
    %dma_wait3A_434 = tpu.memref_squeeze %dma_wait3A_433 : memref<1x16x1024xf32, #tpu.memory_space<vmem>> -> memref<16x1024xf32, #tpu.memory_space<vmem>>
    tpu.wait_dma2 semaphore(%arg14 : memref<!tpu.dma_semaphore, #tpu.memory_space<semaphore_mem>>) src(%dma_wait3A_434 : memref<16x1024xf32, #tpu.memory_space<vmem>>) dst(%dma_wait3A_430 : memref<16x1024xf32, #tpu.memory_space<hbm>>)
    %dma_start3A_435 = arith.constant 1 : i32
    %dma_start3A_436 = arith.constant 0 : i32
    %dma_start3A_437 = arith.constant 0 : i32
    %dma_start3A_438 = tpu.memref_slice %arg6[%dma_start3A_435, %dma_start3A_436, %dma_start3A_437] : memref<6x16x1024xf32, #tpu.memory_space<vmem>> -> memref<1x16x1024xf32, #tpu.memory_space<vmem>>
    %dma_start3A_439 = tpu.memref_squeeze %dma_start3A_438 : memref<1x16x1024xf32, #tpu.memory_space<vmem>> -> memref<16x1024xf32, #tpu.memory_space<vmem>>
    %dma_start3A_440 = arith.constant 208 : i32
    %dma_start3A_441 = tpu.memref_slice %arg5[%dma_start3A_440] : memref<256xi32, #tpu.memory_space<vmem>> -> memref<16xi32, #tpu.memory_space<vmem>>
    %dma_start3A_442 = arith.constant 0 : i32
    %dma_start3A_443 = arith.constant 0 : i32
    %dma_start3A_444 = tpu.memref_slice %arg3[%dma_start3A_442, %dma_start3A_443] : memref<100000x1024xf32, #tpu.memory_space<hbm>> -> memref<100000x1024xf32, #tpu.memory_space<hbm>>
    tpu.enqueue_indirect_dma source(%dma_start3A_444 : memref<100000x1024xf32, #tpu.memory_space<hbm>>) target(%dma_start3A_439 : memref<16x1024xf32, #tpu.memory_space<vmem>>) offsets(%dma_start3A_441 : memref<16xi32, #tpu.memory_space<vmem>>) semaphore(%arg8 : memref<!tpu.dma_semaphore, #tpu.memory_space<semaphore_mem>>)
    %dma_wait3A_445 = arith.constant 2 : i32
    %dma_wait3A_446 = arith.constant 0 : i32
    %dma_wait3A_447 = arith.constant 0 : i32
    %dma_wait3A_448 = tpu.memref_slice %arg6[%dma_wait3A_445, %dma_wait3A_446, %dma_wait3A_447] : memref<6x16x1024xf32, #tpu.memory_space<vmem>> -> memref<1x16x1024xf32, #tpu.memory_space<vmem>>
    %dma_wait3A_449 = tpu.memref_squeeze %dma_wait3A_448 : memref<1x16x1024xf32, #tpu.memory_space<vmem>> -> memref<16x1024xf32, #tpu.memory_space<vmem>>
    %dma_wait3A_450 = arith.constant 128 : i32
    %dma_wait3A_451 = tpu.memref_slice %arg5[%dma_wait3A_450] : memref<256xi32, #tpu.memory_space<vmem>> -> memref<16xi32, #tpu.memory_space<vmem>>
    %dma_wait3A_452 = arith.constant 0 : i32
    %dma_wait3A_453 = arith.constant 0 : i32
    %dma_wait3A_454 = tpu.memref_slice %arg3[%dma_wait3A_452, %dma_wait3A_453] : memref<100000x1024xf32, #tpu.memory_space<hbm>> -> memref<100000x1024xf32, #tpu.memory_space<hbm>>
    tpu.wait_indirect_dma semaphore(%arg9 : memref<!tpu.dma_semaphore, #tpu.memory_space<semaphore_mem>>) src(%dma_wait3A_454 : memref<100000x1024xf32, #tpu.memory_space<hbm>>) dst(%dma_wait3A_449 : memref<16x1024xf32, #tpu.memory_space<vmem>>)
    %add3A_455 = arith.constant 128 : i32
    %add3A_456 = arith.addi %mul3A_2, %add3A_455 : i32
    %dma_start3A_457 = arith.constant 2 : i32
    %dma_start3A_458 = arith.constant 0 : i32
    %dma_start3A_459 = arith.constant 0 : i32
    %dma_start3A_460 = tpu.memref_slice %arg6[%dma_start3A_457, %dma_start3A_458, %dma_start3A_459] : memref<6x16x1024xf32, #tpu.memory_space<vmem>> -> memref<1x16x1024xf32, #tpu.memory_space<vmem>>
    %dma_start3A_461 = tpu.memref_squeeze %dma_start3A_460 : memref<1x16x1024xf32, #tpu.memory_space<vmem>> -> memref<16x1024xf32, #tpu.memory_space<vmem>>
    %dma_start3A_462 = arith.constant 0 : i32
    %dma_start3A_463 = tpu.memref_slice %arg4[%add3A_456, %dma_start3A_462] : memref<8192x1024xf32, #tpu.memory_space<hbm>> -> memref<16x1024xf32, #tpu.memory_space<hbm>>
    %dma_start3A_464 = arith.constant 0 : i32
    %dma_start3A_465 = tpu.memref_slice %arg4[%add3A_456, %dma_start3A_464] : memref<8192x1024xf32, #tpu.memory_space<hbm>> -> memref<16x1024xf32, #tpu.memory_space<hbm>>
    %dma_start3A_466 = arith.constant 0 : i32
    %dma_start3A_467 = arith.constant 0 : i32
    %dma_start3A_468 = tpu.memref_slice %arg6[%dma_start3A_457, %dma_start3A_466, %dma_start3A_467] : memref<6x16x1024xf32, #tpu.memory_space<vmem>> -> memref<1x16x1024xf32, #tpu.memory_space<vmem>>
    %dma_start3A_469 = tpu.memref_squeeze %dma_start3A_468 : memref<1x16x1024xf32, #tpu.memory_space<vmem>> -> memref<16x1024xf32, #tpu.memory_space<vmem>>
    tpu.enqueue_dma source(%dma_start3A_469 : memref<16x1024xf32, #tpu.memory_space<vmem>>) target(%dma_start3A_465 : memref<16x1024xf32, #tpu.memory_space<hbm>>) target_semaphore(%arg15 : memref<!tpu.dma_semaphore, #tpu.memory_space<semaphore_mem>>)
    %dma_wait3A_470 = arith.constant 2 : i32
    %dma_wait3A_471 = arith.constant 0 : i32
    %dma_wait3A_472 = arith.constant 0 : i32
    %dma_wait3A_473 = tpu.memref_slice %arg6[%dma_wait3A_470, %dma_wait3A_471, %dma_wait3A_472] : memref<6x16x1024xf32, #tpu.memory_space<vmem>> -> memref<1x16x1024xf32, #tpu.memory_space<vmem>>
    %dma_wait3A_474 = tpu.memref_squeeze %dma_wait3A_473 : memref<1x16x1024xf32, #tpu.memory_space<vmem>> -> memref<16x1024xf32, #tpu.memory_space<vmem>>
    %dma_wait3A_475 = arith.constant 0 : i32
    %dma_wait3A_476 = tpu.memref_slice %arg4[%add3A_456, %dma_wait3A_475] : memref<8192x1024xf32, #tpu.memory_space<hbm>> -> memref<16x1024xf32, #tpu.memory_space<hbm>>
    %dma_wait3A_477 = arith.constant 0 : i32
    %dma_wait3A_478 = tpu.memref_slice %arg4[%add3A_456, %dma_wait3A_477] : memref<8192x1024xf32, #tpu.memory_space<hbm>> -> memref<16x1024xf32, #tpu.memory_space<hbm>>
    %dma_wait3A_479 = arith.constant 0 : i32
    %dma_wait3A_480 = arith.constant 0 : i32
    %dma_wait3A_481 = tpu.memref_slice %arg6[%dma_wait3A_470, %dma_wait3A_479, %dma_wait3A_480] : memref<6x16x1024xf32, #tpu.memory_space<vmem>> -> memref<1x16x1024xf32, #tpu.memory_space<vmem>>
    %dma_wait3A_482 = tpu.memref_squeeze %dma_wait3A_481 : memref<1x16x1024xf32, #tpu.memory_space<vmem>> -> memref<16x1024xf32, #tpu.memory_space<vmem>>
    tpu.wait_dma2 semaphore(%arg15 : memref<!tpu.dma_semaphore, #tpu.memory_space<semaphore_mem>>) src(%dma_wait3A_482 : memref<16x1024xf32, #tpu.memory_space<vmem>>) dst(%dma_wait3A_478 : memref<16x1024xf32, #tpu.memory_space<hbm>>)
    %dma_start3A_483 = arith.constant 2 : i32
    %dma_start3A_484 = arith.constant 0 : i32
    %dma_start3A_485 = arith.constant 0 : i32
    %dma_start3A_486 = tpu.memref_slice %arg6[%dma_start3A_483, %dma_start3A_484, %dma_start3A_485] : memref<6x16x1024xf32, #tpu.memory_space<vmem>> -> memref<1x16x1024xf32, #tpu.memory_space<vmem>>
    %dma_start3A_487 = tpu.memref_squeeze %dma_start3A_486 : memref<1x16x1024xf32, #tpu.memory_space<vmem>> -> memref<16x1024xf32, #tpu.memory_space<vmem>>
    %dma_start3A_488 = arith.constant 224 : i32
    %dma_start3A_489 = tpu.memref_slice %arg5[%dma_start3A_488] : memref<256xi32, #tpu.memory_space<vmem>> -> memref<16xi32, #tpu.memory_space<vmem>>
    %dma_start3A_490 = arith.constant 0 : i32
    %dma_start3A_491 = arith.constant 0 : i32
    %dma_start3A_492 = tpu.memref_slice %arg3[%dma_start3A_490, %dma_start3A_491] : memref<100000x1024xf32, #tpu.memory_space<hbm>> -> memref<100000x1024xf32, #tpu.memory_space<hbm>>
    tpu.enqueue_indirect_dma source(%dma_start3A_492 : memref<100000x1024xf32, #tpu.memory_space<hbm>>) target(%dma_start3A_487 : memref<16x1024xf32, #tpu.memory_space<vmem>>) offsets(%dma_start3A_489 : memref<16xi32, #tpu.memory_space<vmem>>) semaphore(%arg9 : memref<!tpu.dma_semaphore, #tpu.memory_space<semaphore_mem>>)
    %dma_wait3A_493 = arith.constant 3 : i32
    %dma_wait3A_494 = arith.constant 0 : i32
    %dma_wait3A_495 = arith.constant 0 : i32
    %dma_wait3A_496 = tpu.memref_slice %arg6[%dma_wait3A_493, %dma_wait3A_494, %dma_wait3A_495] : memref<6x16x1024xf32, #tpu.memory_space<vmem>> -> memref<1x16x1024xf32, #tpu.memory_space<vmem>>
    %dma_wait3A_497 = tpu.memref_squeeze %dma_wait3A_496 : memref<1x16x1024xf32, #tpu.memory_space<vmem>> -> memref<16x1024xf32, #tpu.memory_space<vmem>>
    %dma_wait3A_498 = arith.constant 144 : i32
    %dma_wait3A_499 = tpu.memref_slice %arg5[%dma_wait3A_498] : memref<256xi32, #tpu.memory_space<vmem>> -> memref<16xi32, #tpu.memory_space<vmem>>
    %dma_wait3A_500 = arith.constant 0 : i32
    %dma_wait3A_501 = arith.constant 0 : i32
    %dma_wait3A_502 = tpu.memref_slice %arg3[%dma_wait3A_500, %dma_wait3A_501] : memref<100000x1024xf32, #tpu.memory_space<hbm>> -> memref<100000x1024xf32, #tpu.memory_space<hbm>>
    tpu.wait_indirect_dma semaphore(%arg10 : memref<!tpu.dma_semaphore, #tpu.memory_space<semaphore_mem>>) src(%dma_wait3A_502 : memref<100000x1024xf32, #tpu.memory_space<hbm>>) dst(%dma_wait3A_497 : memref<16x1024xf32, #tpu.memory_space<vmem>>)
    %add3A_503 = arith.constant 144 : i32
    %add3A_504 = arith.addi %mul3A_2, %add3A_503 : i32
    %dma_start3A_505 = arith.constant 3 : i32
    %dma_start3A_506 = arith.constant 0 : i32
    %dma_start3A_507 = arith.constant 0 : i32
    %dma_start3A_508 = tpu.memref_slice %arg6[%dma_start3A_505, %dma_start3A_506, %dma_start3A_507] : memref<6x16x1024xf32, #tpu.memory_space<vmem>> -> memref<1x16x1024xf32, #tpu.memory_space<vmem>>
    %dma_start3A_509 = tpu.memref_squeeze %dma_start3A_508 : memref<1x16x1024xf32, #tpu.memory_space<vmem>> -> memref<16x1024xf32, #tpu.memory_space<vmem>>
    %dma_start3A_510 = arith.constant 0 : i32
    %dma_start3A_511 = tpu.memref_slice %arg4[%add3A_504, %dma_start3A_510] : memref<8192x1024xf32, #tpu.memory_space<hbm>> -> memref<16x1024xf32, #tpu.memory_space<hbm>>
    %dma_start3A_512 = arith.constant 0 : i32
    %dma_start3A_513 = tpu.memref_slice %arg4[%add3A_504, %dma_start3A_512] : memref<8192x1024xf32, #tpu.memory_space<hbm>> -> memref<16x1024xf32, #tpu.memory_space<hbm>>
    %dma_start3A_514 = arith.constant 0 : i32
    %dma_start3A_515 = arith.constant 0 : i32
    %dma_start3A_516 = tpu.memref_slice %arg6[%dma_start3A_505, %dma_start3A_514, %dma_start3A_515] : memref<6x16x1024xf32, #tpu.memory_space<vmem>> -> memref<1x16x1024xf32, #tpu.memory_space<vmem>>
    %dma_start3A_517 = tpu.memref_squeeze %dma_start3A_516 : memref<1x16x1024xf32, #tpu.memory_space<vmem>> -> memref<16x1024xf32, #tpu.memory_space<vmem>>
    tpu.enqueue_dma source(%dma_start3A_517 : memref<16x1024xf32, #tpu.memory_space<vmem>>) target(%dma_start3A_513 : memref<16x1024xf32, #tpu.memory_space<hbm>>) target_semaphore(%arg16 : memref<!tpu.dma_semaphore, #tpu.memory_space<semaphore_mem>>)
    %dma_wait3A_518 = arith.constant 3 : i32
    %dma_wait3A_519 = arith.constant 0 : i32
    %dma_wait3A_520 = arith.constant 0 : i32
    %dma_wait3A_521 = tpu.memref_slice %arg6[%dma_wait3A_518, %dma_wait3A_519, %dma_wait3A_520] : memref<6x16x1024xf32, #tpu.memory_space<vmem>> -> memref<1x16x1024xf32, #tpu.memory_space<vmem>>
    %dma_wait3A_522 = tpu.memref_squeeze %dma_wait3A_521 : memref<1x16x1024xf32, #tpu.memory_space<vmem>> -> memref<16x1024xf32, #tpu.memory_space<vmem>>
    %dma_wait3A_523 = arith.constant 0 : i32
    %dma_wait3A_524 = tpu.memref_slice %arg4[%add3A_504, %dma_wait3A_523] : memref<8192x1024xf32, #tpu.memory_space<hbm>> -> memref<16x1024xf32, #tpu.memory_space<hbm>>
    %dma_wait3A_525 = arith.constant 0 : i32
    %dma_wait3A_526 = tpu.memref_slice %arg4[%add3A_504, %dma_wait3A_525] : memref<8192x1024xf32, #tpu.memory_space<hbm>> -> memref<16x1024xf32, #tpu.memory_space<hbm>>
    %dma_wait3A_527 = arith.constant 0 : i32
    %dma_wait3A_528 = arith.constant 0 : i32
    %dma_wait3A_529 = tpu.memref_slice %arg6[%dma_wait3A_518, %dma_wait3A_527, %dma_wait3A_528] : memref<6x16x1024xf32, #tpu.memory_space<vmem>> -> memref<1x16x1024xf32, #tpu.memory_space<vmem>>
    %dma_wait3A_530 = tpu.memref_squeeze %dma_wait3A_529 : memref<1x16x1024xf32, #tpu.memory_space<vmem>> -> memref<16x1024xf32, #tpu.memory_space<vmem>>
    tpu.wait_dma2 semaphore(%arg16 : memref<!tpu.dma_semaphore, #tpu.memory_space<semaphore_mem>>) src(%dma_wait3A_530 : memref<16x1024xf32, #tpu.memory_space<vmem>>) dst(%dma_wait3A_526 : memref<16x1024xf32, #tpu.memory_space<hbm>>)
    %dma_start3A_531 = arith.constant 3 : i32
    %dma_start3A_532 = arith.constant 0 : i32
    %dma_start3A_533 = arith.constant 0 : i32
    %dma_start3A_534 = tpu.memref_slice %arg6[%dma_start3A_531, %dma_start3A_532, %dma_start3A_533] : memref<6x16x1024xf32, #tpu.memory_space<vmem>> -> memref<1x16x1024xf32, #tpu.memory_space<vmem>>
    %dma_start3A_535 = tpu.memref_squeeze %dma_start3A_534 : memref<1x16x1024xf32, #tpu.memory_space<vmem>> -> memref<16x1024xf32, #tpu.memory_space<vmem>>
    %dma_start3A_536 = arith.constant 240 : i32
    %dma_start3A_537 = tpu.memref_slice %arg5[%dma_start3A_536] : memref<256xi32, #tpu.memory_space<vmem>> -> memref<16xi32, #tpu.memory_space<vmem>>
    %dma_start3A_538 = arith.constant 0 : i32
    %dma_start3A_539 = arith.constant 0 : i32
    %dma_start3A_540 = tpu.memref_slice %arg3[%dma_start3A_538, %dma_start3A_539] : memref<100000x1024xf32, #tpu.memory_space<hbm>> -> memref<100000x1024xf32, #tpu.memory_space<hbm>>
    tpu.enqueue_indirect_dma source(%dma_start3A_540 : memref<100000x1024xf32, #tpu.memory_space<hbm>>) target(%dma_start3A_535 : memref<16x1024xf32, #tpu.memory_space<vmem>>) offsets(%dma_start3A_537 : memref<16xi32, #tpu.memory_space<vmem>>) semaphore(%arg10 : memref<!tpu.dma_semaphore, #tpu.memory_space<semaphore_mem>>)
    %dma_wait3A_541 = arith.constant 4 : i32
    %dma_wait3A_542 = arith.constant 0 : i32
    %dma_wait3A_543 = arith.constant 0 : i32
    %dma_wait3A_544 = tpu.memref_slice %arg6[%dma_wait3A_541, %dma_wait3A_542, %dma_wait3A_543] : memref<6x16x1024xf32, #tpu.memory_space<vmem>> -> memref<1x16x1024xf32, #tpu.memory_space<vmem>>
    %dma_wait3A_545 = tpu.memref_squeeze %dma_wait3A_544 : memref<1x16x1024xf32, #tpu.memory_space<vmem>> -> memref<16x1024xf32, #tpu.memory_space<vmem>>
    %dma_wait3A_546 = arith.constant 160 : i32
    %dma_wait3A_547 = tpu.memref_slice %arg5[%dma_wait3A_546] : memref<256xi32, #tpu.memory_space<vmem>> -> memref<16xi32, #tpu.memory_space<vmem>>
    %dma_wait3A_548 = arith.constant 0 : i32
    %dma_wait3A_549 = arith.constant 0 : i32
    %dma_wait3A_550 = tpu.memref_slice %arg3[%dma_wait3A_548, %dma_wait3A_549] : memref<100000x1024xf32, #tpu.memory_space<hbm>> -> memref<100000x1024xf32, #tpu.memory_space<hbm>>
    tpu.wait_indirect_dma semaphore(%arg11 : memref<!tpu.dma_semaphore, #tpu.memory_space<semaphore_mem>>) src(%dma_wait3A_550 : memref<100000x1024xf32, #tpu.memory_space<hbm>>) dst(%dma_wait3A_545 : memref<16x1024xf32, #tpu.memory_space<vmem>>)
    %add3A_551 = arith.constant 160 : i32
    %add3A_552 = arith.addi %mul3A_2, %add3A_551 : i32
    %dma_start3A_553 = arith.constant 4 : i32
    %dma_start3A_554 = arith.constant 0 : i32
    %dma_start3A_555 = arith.constant 0 : i32
    %dma_start3A_556 = tpu.memref_slice %arg6[%dma_start3A_553, %dma_start3A_554, %dma_start3A_555] : memref<6x16x1024xf32, #tpu.memory_space<vmem>> -> memref<1x16x1024xf32, #tpu.memory_space<vmem>>
    %dma_start3A_557 = tpu.memref_squeeze %dma_start3A_556 : memref<1x16x1024xf32, #tpu.memory_space<vmem>> -> memref<16x1024xf32, #tpu.memory_space<vmem>>
    %dma_start3A_558 = arith.constant 0 : i32
    %dma_start3A_559 = tpu.memref_slice %arg4[%add3A_552, %dma_start3A_558] : memref<8192x1024xf32, #tpu.memory_space<hbm>> -> memref<16x1024xf32, #tpu.memory_space<hbm>>
    %dma_start3A_560 = arith.constant 0 : i32
    %dma_start3A_561 = tpu.memref_slice %arg4[%add3A_552, %dma_start3A_560] : memref<8192x1024xf32, #tpu.memory_space<hbm>> -> memref<16x1024xf32, #tpu.memory_space<hbm>>
    %dma_start3A_562 = arith.constant 0 : i32
    %dma_start3A_563 = arith.constant 0 : i32
    %dma_start3A_564 = tpu.memref_slice %arg6[%dma_start3A_553, %dma_start3A_562, %dma_start3A_563] : memref<6x16x1024xf32, #tpu.memory_space<vmem>> -> memref<1x16x1024xf32, #tpu.memory_space<vmem>>
    %dma_start3A_565 = tpu.memref_squeeze %dma_start3A_564 : memref<1x16x1024xf32, #tpu.memory_space<vmem>> -> memref<16x1024xf32, #tpu.memory_space<vmem>>
    tpu.enqueue_dma source(%dma_start3A_565 : memref<16x1024xf32, #tpu.memory_space<vmem>>) target(%dma_start3A_561 : memref<16x1024xf32, #tpu.memory_space<hbm>>) target_semaphore(%arg17 : memref<!tpu.dma_semaphore, #tpu.memory_space<semaphore_mem>>)
    %dma_wait3A_566 = arith.constant 5 : i32
    %dma_wait3A_567 = arith.constant 0 : i32
    %dma_wait3A_568 = arith.constant 0 : i32
    %dma_wait3A_569 = tpu.memref_slice %arg6[%dma_wait3A_566, %dma_wait3A_567, %dma_wait3A_568] : memref<6x16x1024xf32, #tpu.memory_space<vmem>> -> memref<1x16x1024xf32, #tpu.memory_space<vmem>>
    %dma_wait3A_570 = tpu.memref_squeeze %dma_wait3A_569 : memref<1x16x1024xf32, #tpu.memory_space<vmem>> -> memref<16x1024xf32, #tpu.memory_space<vmem>>
    %dma_wait3A_571 = arith.constant 176 : i32
    %dma_wait3A_572 = tpu.memref_slice %arg5[%dma_wait3A_571] : memref<256xi32, #tpu.memory_space<vmem>> -> memref<16xi32, #tpu.memory_space<vmem>>
    %dma_wait3A_573 = arith.constant 0 : i32
    %dma_wait3A_574 = arith.constant 0 : i32
    %dma_wait3A_575 = tpu.memref_slice %arg3[%dma_wait3A_573, %dma_wait3A_574] : memref<100000x1024xf32, #tpu.memory_space<hbm>> -> memref<100000x1024xf32, #tpu.memory_space<hbm>>
    tpu.wait_indirect_dma semaphore(%arg12 : memref<!tpu.dma_semaphore, #tpu.memory_space<semaphore_mem>>) src(%dma_wait3A_575 : memref<100000x1024xf32, #tpu.memory_space<hbm>>) dst(%dma_wait3A_570 : memref<16x1024xf32, #tpu.memory_space<vmem>>)
    %add3A_576 = arith.constant 176 : i32
    %add3A_577 = arith.addi %mul3A_2, %add3A_576 : i32
    %dma_start3A_578 = arith.constant 5 : i32
    %dma_start3A_579 = arith.constant 0 : i32
    %dma_start3A_580 = arith.constant 0 : i32
    %dma_start3A_581 = tpu.memref_slice %arg6[%dma_start3A_578, %dma_start3A_579, %dma_start3A_580] : memref<6x16x1024xf32, #tpu.memory_space<vmem>> -> memref<1x16x1024xf32, #tpu.memory_space<vmem>>
    %dma_start3A_582 = tpu.memref_squeeze %dma_start3A_581 : memref<1x16x1024xf32, #tpu.memory_space<vmem>> -> memref<16x1024xf32, #tpu.memory_space<vmem>>
    %dma_start3A_583 = arith.constant 0 : i32
    %dma_start3A_584 = tpu.memref_slice %arg4[%add3A_577, %dma_start3A_583] : memref<8192x1024xf32, #tpu.memory_space<hbm>> -> memref<16x1024xf32, #tpu.memory_space<hbm>>
    %dma_start3A_585 = arith.constant 0 : i32
    %dma_start3A_586 = tpu.memref_slice %arg4[%add3A_577, %dma_start3A_585] : memref<8192x1024xf32, #tpu.memory_space<hbm>> -> memref<16x1024xf32, #tpu.memory_space<hbm>>
    %dma_start3A_587 = arith.constant 0 : i32
    %dma_start3A_588 = arith.constant 0 : i32
    %dma_start3A_589 = tpu.memref_slice %arg6[%dma_start3A_578, %dma_start3A_587, %dma_start3A_588] : memref<6x16x1024xf32, #tpu.memory_space<vmem>> -> memref<1x16x1024xf32, #tpu.memory_space<vmem>>
    %dma_start3A_590 = tpu.memref_squeeze %dma_start3A_589 : memref<1x16x1024xf32, #tpu.memory_space<vmem>> -> memref<16x1024xf32, #tpu.memory_space<vmem>>
    tpu.enqueue_dma source(%dma_start3A_590 : memref<16x1024xf32, #tpu.memory_space<vmem>>) target(%dma_start3A_586 : memref<16x1024xf32, #tpu.memory_space<hbm>>) target_semaphore(%arg18 : memref<!tpu.dma_semaphore, #tpu.memory_space<semaphore_mem>>)
    %dma_wait3A_591 = arith.constant 0 : i32
    %dma_wait3A_592 = arith.constant 0 : i32
    %dma_wait3A_593 = arith.constant 0 : i32
    %dma_wait3A_594 = tpu.memref_slice %arg6[%dma_wait3A_591, %dma_wait3A_592, %dma_wait3A_593] : memref<6x16x1024xf32, #tpu.memory_space<vmem>> -> memref<1x16x1024xf32, #tpu.memory_space<vmem>>
    %dma_wait3A_595 = tpu.memref_squeeze %dma_wait3A_594 : memref<1x16x1024xf32, #tpu.memory_space<vmem>> -> memref<16x1024xf32, #tpu.memory_space<vmem>>
    %dma_wait3A_596 = arith.constant 192 : i32
    %dma_wait3A_597 = tpu.memref_slice %arg5[%dma_wait3A_596] : memref<256xi32, #tpu.memory_space<vmem>> -> memref<16xi32, #tpu.memory_space<vmem>>
    %dma_wait3A_598 = arith.constant 0 : i32
    %dma_wait3A_599 = arith.constant 0 : i32
    %dma_wait3A_600 = tpu.memref_slice %arg3[%dma_wait3A_598, %dma_wait3A_599] : memref<100000x1024xf32, #tpu.memory_space<hbm>> -> memref<100000x1024xf32, #tpu.memory_space<hbm>>
    tpu.wait_indirect_dma semaphore(%arg7 : memref<!tpu.dma_semaphore, #tpu.memory_space<semaphore_mem>>) src(%dma_wait3A_600 : memref<100000x1024xf32, #tpu.memory_space<hbm>>) dst(%dma_wait3A_595 : memref<16x1024xf32, #tpu.memory_space<vmem>>)
    %add3A_601 = arith.constant 192 : i32
    %add3A_602 = arith.addi %mul3A_2, %add3A_601 : i32
    %dma_start3A_603 = arith.constant 0 : i32
    %dma_start3A_604 = arith.constant 0 : i32
    %dma_start3A_605 = arith.constant 0 : i32
    %dma_start3A_606 = tpu.memref_slice %arg6[%dma_start3A_603, %dma_start3A_604, %dma_start3A_605] : memref<6x16x1024xf32, #tpu.memory_space<vmem>> -> memref<1x16x1024xf32, #tpu.memory_space<vmem>>
    %dma_start3A_607 = tpu.memref_squeeze %dma_start3A_606 : memref<1x16x1024xf32, #tpu.memory_space<vmem>> -> memref<16x1024xf32, #tpu.memory_space<vmem>>
    %dma_start3A_608 = arith.constant 0 : i32
    %dma_start3A_609 = tpu.memref_slice %arg4[%add3A_602, %dma_start3A_608] : memref<8192x1024xf32, #tpu.memory_space<hbm>> -> memref<16x1024xf32, #tpu.memory_space<hbm>>
    %dma_start3A_610 = arith.constant 0 : i32
    %dma_start3A_611 = tpu.memref_slice %arg4[%add3A_602, %dma_start3A_610] : memref<8192x1024xf32, #tpu.memory_space<hbm>> -> memref<16x1024xf32, #tpu.memory_space<hbm>>
    %dma_start3A_612 = arith.constant 0 : i32
    %dma_start3A_613 = arith.constant 0 : i32
    %dma_start3A_614 = tpu.memref_slice %arg6[%dma_start3A_603, %dma_start3A_612, %dma_start3A_613] : memref<6x16x1024xf32, #tpu.memory_space<vmem>> -> memref<1x16x1024xf32, #tpu.memory_space<vmem>>
    %dma_start3A_615 = tpu.memref_squeeze %dma_start3A_614 : memref<1x16x1024xf32, #tpu.memory_space<vmem>> -> memref<16x1024xf32, #tpu.memory_space<vmem>>
    tpu.enqueue_dma source(%dma_start3A_615 : memref<16x1024xf32, #tpu.memory_space<vmem>>) target(%dma_start3A_611 : memref<16x1024xf32, #tpu.memory_space<hbm>>) target_semaphore(%arg13 : memref<!tpu.dma_semaphore, #tpu.memory_space<semaphore_mem>>)
    %dma_wait3A_616 = arith.constant 1 : i32
    %dma_wait3A_617 = arith.constant 0 : i32
    %dma_wait3A_618 = arith.constant 0 : i32
    %dma_wait3A_619 = tpu.memref_slice %arg6[%dma_wait3A_616, %dma_wait3A_617, %dma_wait3A_618] : memref<6x16x1024xf32, #tpu.memory_space<vmem>> -> memref<1x16x1024xf32, #tpu.memory_space<vmem>>
    %dma_wait3A_620 = tpu.memref_squeeze %dma_wait3A_619 : memref<1x16x1024xf32, #tpu.memory_space<vmem>> -> memref<16x1024xf32, #tpu.memory_space<vmem>>
    %dma_wait3A_621 = arith.constant 208 : i32
    %dma_wait3A_622 = tpu.memref_slice %arg5[%dma_wait3A_621] : memref<256xi32, #tpu.memory_space<vmem>> -> memref<16xi32, #tpu.memory_space<vmem>>
    %dma_wait3A_623 = arith.constant 0 : i32
    %dma_wait3A_624 = arith.constant 0 : i32
    %dma_wait3A_625 = tpu.memref_slice %arg3[%dma_wait3A_623, %dma_wait3A_624] : memref<100000x1024xf32, #tpu.memory_space<hbm>> -> memref<100000x1024xf32, #tpu.memory_space<hbm>>
    tpu.wait_indirect_dma semaphore(%arg8 : memref<!tpu.dma_semaphore, #tpu.memory_space<semaphore_mem>>) src(%dma_wait3A_625 : memref<100000x1024xf32, #tpu.memory_space<hbm>>) dst(%dma_wait3A_620 : memref<16x1024xf32, #tpu.memory_space<vmem>>)
    %add3A_626 = arith.constant 208 : i32
    %add3A_627 = arith.addi %mul3A_2, %add3A_626 : i32
    %dma_start3A_628 = arith.constant 1 : i32
    %dma_start3A_629 = arith.constant 0 : i32
    %dma_start3A_630 = arith.constant 0 : i32
    %dma_start3A_631 = tpu.memref_slice %arg6[%dma_start3A_628, %dma_start3A_629, %dma_start3A_630] : memref<6x16x1024xf32, #tpu.memory_space<vmem>> -> memref<1x16x1024xf32, #tpu.memory_space<vmem>>
    %dma_start3A_632 = tpu.memref_squeeze %dma_start3A_631 : memref<1x16x1024xf32, #tpu.memory_space<vmem>> -> memref<16x1024xf32, #tpu.memory_space<vmem>>
    %dma_start3A_633 = arith.constant 0 : i32
    %dma_start3A_634 = tpu.memref_slice %arg4[%add3A_627, %dma_start3A_633] : memref<8192x1024xf32, #tpu.memory_space<hbm>> -> memref<16x1024xf32, #tpu.memory_space<hbm>>
    %dma_start3A_635 = arith.constant 0 : i32
    %dma_start3A_636 = tpu.memref_slice %arg4[%add3A_627, %dma_start3A_635] : memref<8192x1024xf32, #tpu.memory_space<hbm>> -> memref<16x1024xf32, #tpu.memory_space<hbm>>
    %dma_start3A_637 = arith.constant 0 : i32
    %dma_start3A_638 = arith.constant 0 : i32
    %dma_start3A_639 = tpu.memref_slice %arg6[%dma_start3A_628, %dma_start3A_637, %dma_start3A_638] : memref<6x16x1024xf32, #tpu.memory_space<vmem>> -> memref<1x16x1024xf32, #tpu.memory_space<vmem>>
    %dma_start3A_640 = tpu.memref_squeeze %dma_start3A_639 : memref<1x16x1024xf32, #tpu.memory_space<vmem>> -> memref<16x1024xf32, #tpu.memory_space<vmem>>
    tpu.enqueue_dma source(%dma_start3A_640 : memref<16x1024xf32, #tpu.memory_space<vmem>>) target(%dma_start3A_636 : memref<16x1024xf32, #tpu.memory_space<hbm>>) target_semaphore(%arg14 : memref<!tpu.dma_semaphore, #tpu.memory_space<semaphore_mem>>)
    %dma_wait3A_641 = arith.constant 2 : i32
    %dma_wait3A_642 = arith.constant 0 : i32
    %dma_wait3A_643 = arith.constant 0 : i32
    %dma_wait3A_644 = tpu.memref_slice %arg6[%dma_wait3A_641, %dma_wait3A_642, %dma_wait3A_643] : memref<6x16x1024xf32, #tpu.memory_space<vmem>> -> memref<1x16x1024xf32, #tpu.memory_space<vmem>>
    %dma_wait3A_645 = tpu.memref_squeeze %dma_wait3A_644 : memref<1x16x1024xf32, #tpu.memory_space<vmem>> -> memref<16x1024xf32, #tpu.memory_space<vmem>>
    %dma_wait3A_646 = arith.constant 224 : i32
    %dma_wait3A_647 = tpu.memref_slice %arg5[%dma_wait3A_646] : memref<256xi32, #tpu.memory_space<vmem>> -> memref<16xi32, #tpu.memory_space<vmem>>
    %dma_wait3A_648 = arith.constant 0 : i32
    %dma_wait3A_649 = arith.constant 0 : i32
    %dma_wait3A_650 = tpu.memref_slice %arg3[%dma_wait3A_648, %dma_wait3A_649] : memref<100000x1024xf32, #tpu.memory_space<hbm>> -> memref<100000x1024xf32, #tpu.memory_space<hbm>>
    tpu.wait_indirect_dma semaphore(%arg9 : memref<!tpu.dma_semaphore, #tpu.memory_space<semaphore_mem>>) src(%dma_wait3A_650 : memref<100000x1024xf32, #tpu.memory_space<hbm>>) dst(%dma_wait3A_645 : memref<16x1024xf32, #tpu.memory_space<vmem>>)
    %add3A_651 = arith.constant 224 : i32
    %add3A_652 = arith.addi %mul3A_2, %add3A_651 : i32
    %dma_start3A_653 = arith.constant 2 : i32
    %dma_start3A_654 = arith.constant 0 : i32
    %dma_start3A_655 = arith.constant 0 : i32
    %dma_start3A_656 = tpu.memref_slice %arg6[%dma_start3A_653, %dma_start3A_654, %dma_start3A_655] : memref<6x16x1024xf32, #tpu.memory_space<vmem>> -> memref<1x16x1024xf32, #tpu.memory_space<vmem>>
    %dma_start3A_657 = tpu.memref_squeeze %dma_start3A_656 : memref<1x16x1024xf32, #tpu.memory_space<vmem>> -> memref<16x1024xf32, #tpu.memory_space<vmem>>
    %dma_start3A_658 = arith.constant 0 : i32
    %dma_start3A_659 = tpu.memref_slice %arg4[%add3A_652, %dma_start3A_658] : memref<8192x1024xf32, #tpu.memory_space<hbm>> -> memref<16x1024xf32, #tpu.memory_space<hbm>>
    %dma_start3A_660 = arith.constant 0 : i32
    %dma_start3A_661 = tpu.memref_slice %arg4[%add3A_652, %dma_start3A_660] : memref<8192x1024xf32, #tpu.memory_space<hbm>> -> memref<16x1024xf32, #tpu.memory_space<hbm>>
    %dma_start3A_662 = arith.constant 0 : i32
    %dma_start3A_663 = arith.constant 0 : i32
    %dma_start3A_664 = tpu.memref_slice %arg6[%dma_start3A_653, %dma_start3A_662, %dma_start3A_663] : memref<6x16x1024xf32, #tpu.memory_space<vmem>> -> memref<1x16x1024xf32, #tpu.memory_space<vmem>>
    %dma_start3A_665 = tpu.memref_squeeze %dma_start3A_664 : memref<1x16x1024xf32, #tpu.memory_space<vmem>> -> memref<16x1024xf32, #tpu.memory_space<vmem>>
    tpu.enqueue_dma source(%dma_start3A_665 : memref<16x1024xf32, #tpu.memory_space<vmem>>) target(%dma_start3A_661 : memref<16x1024xf32, #tpu.memory_space<hbm>>) target_semaphore(%arg15 : memref<!tpu.dma_semaphore, #tpu.memory_space<semaphore_mem>>)
    %dma_wait3A_666 = arith.constant 3 : i32
    %dma_wait3A_667 = arith.constant 0 : i32
    %dma_wait3A_668 = arith.constant 0 : i32
    %dma_wait3A_669 = tpu.memref_slice %arg6[%dma_wait3A_666, %dma_wait3A_667, %dma_wait3A_668] : memref<6x16x1024xf32, #tpu.memory_space<vmem>> -> memref<1x16x1024xf32, #tpu.memory_space<vmem>>
    %dma_wait3A_670 = tpu.memref_squeeze %dma_wait3A_669 : memref<1x16x1024xf32, #tpu.memory_space<vmem>> -> memref<16x1024xf32, #tpu.memory_space<vmem>>
    %dma_wait3A_671 = arith.constant 240 : i32
    %dma_wait3A_672 = tpu.memref_slice %arg5[%dma_wait3A_671] : memref<256xi32, #tpu.memory_space<vmem>> -> memref<16xi32, #tpu.memory_space<vmem>>
    %dma_wait3A_673 = arith.constant 0 : i32
    %dma_wait3A_674 = arith.constant 0 : i32
    %dma_wait3A_675 = tpu.memref_slice %arg3[%dma_wait3A_673, %dma_wait3A_674] : memref<100000x1024xf32, #tpu.memory_space<hbm>> -> memref<100000x1024xf32, #tpu.memory_space<hbm>>
    tpu.wait_indirect_dma semaphore(%arg10 : memref<!tpu.dma_semaphore, #tpu.memory_space<semaphore_mem>>) src(%dma_wait3A_675 : memref<100000x1024xf32, #tpu.memory_space<hbm>>) dst(%dma_wait3A_670 : memref<16x1024xf32, #tpu.memory_space<vmem>>)
    %add3A_676 = arith.constant 240 : i32
    %add3A_677 = arith.addi %mul3A_2, %add3A_676 : i32
    %dma_start3A_678 = arith.constant 3 : i32
    %dma_start3A_679 = arith.constant 0 : i32
    %dma_start3A_680 = arith.constant 0 : i32
    %dma_start3A_681 = tpu.memref_slice %arg6[%dma_start3A_678, %dma_start3A_679, %dma_start3A_680] : memref<6x16x1024xf32, #tpu.memory_space<vmem>> -> memref<1x16x1024xf32, #tpu.memory_space<vmem>>
    %dma_start3A_682 = tpu.memref_squeeze %dma_start3A_681 : memref<1x16x1024xf32, #tpu.memory_space<vmem>> -> memref<16x1024xf32, #tpu.memory_space<vmem>>
    %dma_start3A_683 = arith.constant 0 : i32
    %dma_start3A_684 = tpu.memref_slice %arg4[%add3A_677, %dma_start3A_683] : memref<8192x1024xf32, #tpu.memory_space<hbm>> -> memref<16x1024xf32, #tpu.memory_space<hbm>>
    %dma_start3A_685 = arith.constant 0 : i32
    %dma_start3A_686 = tpu.memref_slice %arg4[%add3A_677, %dma_start3A_685] : memref<8192x1024xf32, #tpu.memory_space<hbm>> -> memref<16x1024xf32, #tpu.memory_space<hbm>>
    %dma_start3A_687 = arith.constant 0 : i32
    %dma_start3A_688 = arith.constant 0 : i32
    %dma_start3A_689 = tpu.memref_slice %arg6[%dma_start3A_678, %dma_start3A_687, %dma_start3A_688] : memref<6x16x1024xf32, #tpu.memory_space<vmem>> -> memref<1x16x1024xf32, #tpu.memory_space<vmem>>
    %dma_start3A_690 = tpu.memref_squeeze %dma_start3A_689 : memref<1x16x1024xf32, #tpu.memory_space<vmem>> -> memref<16x1024xf32, #tpu.memory_space<vmem>>
    tpu.enqueue_dma source(%dma_start3A_690 : memref<16x1024xf32, #tpu.memory_space<vmem>>) target(%dma_start3A_686 : memref<16x1024xf32, #tpu.memory_space<hbm>>) target_semaphore(%arg16 : memref<!tpu.dma_semaphore, #tpu.memory_space<semaphore_mem>>)
    %dma_wait3A_691 = arith.constant 0 : i32
    %dma_wait3A_692 = arith.constant 0 : i32
    %dma_wait3A_693 = arith.constant 0 : i32
    %dma_wait3A_694 = tpu.memref_slice %arg6[%dma_wait3A_691, %dma_wait3A_692, %dma_wait3A_693] : memref<6x16x1024xf32, #tpu.memory_space<vmem>> -> memref<1x16x1024xf32, #tpu.memory_space<vmem>>
    %dma_wait3A_695 = tpu.memref_squeeze %dma_wait3A_694 : memref<1x16x1024xf32, #tpu.memory_space<vmem>> -> memref<16x1024xf32, #tpu.memory_space<vmem>>
    %dma_wait3A_696 = arith.constant 0 : i32
    %dma_wait3A_697 = tpu.memref_slice %arg4[%add3A_602, %dma_wait3A_696] : memref<8192x1024xf32, #tpu.memory_space<hbm>> -> memref<16x1024xf32, #tpu.memory_space<hbm>>
    %dma_wait3A_698 = arith.constant 0 : i32
    %dma_wait3A_699 = tpu.memref_slice %arg4[%add3A_602, %dma_wait3A_698] : memref<8192x1024xf32, #tpu.memory_space<hbm>> -> memref<16x1024xf32, #tpu.memory_space<hbm>>
    %dma_wait3A_700 = arith.constant 0 : i32
    %dma_wait3A_701 = arith.constant 0 : i32
    %dma_wait3A_702 = tpu.memref_slice %arg6[%dma_wait3A_691, %dma_wait3A_700, %dma_wait3A_701] : memref<6x16x1024xf32, #tpu.memory_space<vmem>> -> memref<1x16x1024xf32, #tpu.memory_space<vmem>>
    %dma_wait3A_703 = tpu.memref_squeeze %dma_wait3A_702 : memref<1x16x1024xf32, #tpu.memory_space<vmem>> -> memref<16x1024xf32, #tpu.memory_space<vmem>>
    tpu.wait_dma2 semaphore(%arg13 : memref<!tpu.dma_semaphore, #tpu.memory_space<semaphore_mem>>) src(%dma_wait3A_703 : memref<16x1024xf32, #tpu.memory_space<vmem>>) dst(%dma_wait3A_699 : memref<16x1024xf32, #tpu.memory_space<hbm>>)
    %dma_wait3A_704 = arith.constant 1 : i32
    %dma_wait3A_705 = arith.constant 0 : i32
    %dma_wait3A_706 = arith.constant 0 : i32
    %dma_wait3A_707 = tpu.memref_slice %arg6[%dma_wait3A_704, %dma_wait3A_705, %dma_wait3A_706] : memref<6x16x1024xf32, #tpu.memory_space<vmem>> -> memref<1x16x1024xf32, #tpu.memory_space<vmem>>
    %dma_wait3A_708 = tpu.memref_squeeze %dma_wait3A_707 : memref<1x16x1024xf32, #tpu.memory_space<vmem>> -> memref<16x1024xf32, #tpu.memory_space<vmem>>
    %dma_wait3A_709 = arith.constant 0 : i32
    %dma_wait3A_710 = tpu.memref_slice %arg4[%add3A_627, %dma_wait3A_709] : memref<8192x1024xf32, #tpu.memory_space<hbm>> -> memref<16x1024xf32, #tpu.memory_space<hbm>>
    %dma_wait3A_711 = arith.constant 0 : i32
    %dma_wait3A_712 = tpu.memref_slice %arg4[%add3A_627, %dma_wait3A_711] : memref<8192x1024xf32, #tpu.memory_space<hbm>> -> memref<16x1024xf32, #tpu.memory_space<hbm>>
    %dma_wait3A_713 = arith.constant 0 : i32
    %dma_wait3A_714 = arith.constant 0 : i32
    %dma_wait3A_715 = tpu.memref_slice %arg6[%dma_wait3A_704, %dma_wait3A_713, %dma_wait3A_714] : memref<6x16x1024xf32, #tpu.memory_space<vmem>> -> memref<1x16x1024xf32, #tpu.memory_space<vmem>>
    %dma_wait3A_716 = tpu.memref_squeeze %dma_wait3A_715 : memref<1x16x1024xf32, #tpu.memory_space<vmem>> -> memref<16x1024xf32, #tpu.memory_space<vmem>>
    tpu.wait_dma2 semaphore(%arg14 : memref<!tpu.dma_semaphore, #tpu.memory_space<semaphore_mem>>) src(%dma_wait3A_716 : memref<16x1024xf32, #tpu.memory_space<vmem>>) dst(%dma_wait3A_712 : memref<16x1024xf32, #tpu.memory_space<hbm>>)
    %dma_wait3A_717 = arith.constant 2 : i32
    %dma_wait3A_718 = arith.constant 0 : i32
    %dma_wait3A_719 = arith.constant 0 : i32
    %dma_wait3A_720 = tpu.memref_slice %arg6[%dma_wait3A_717, %dma_wait3A_718, %dma_wait3A_719] : memref<6x16x1024xf32, #tpu.memory_space<vmem>> -> memref<1x16x1024xf32, #tpu.memory_space<vmem>>
    %dma_wait3A_721 = tpu.memref_squeeze %dma_wait3A_720 : memref<1x16x1024xf32, #tpu.memory_space<vmem>> -> memref<16x1024xf32, #tpu.memory_space<vmem>>
    %dma_wait3A_722 = arith.constant 0 : i32
    %dma_wait3A_723 = tpu.memref_slice %arg4[%add3A_652, %dma_wait3A_722] : memref<8192x1024xf32, #tpu.memory_space<hbm>> -> memref<16x1024xf32, #tpu.memory_space<hbm>>
    %dma_wait3A_724 = arith.constant 0 : i32
    %dma_wait3A_725 = tpu.memref_slice %arg4[%add3A_652, %dma_wait3A_724] : memref<8192x1024xf32, #tpu.memory_space<hbm>> -> memref<16x1024xf32, #tpu.memory_space<hbm>>
    %dma_wait3A_726 = arith.constant 0 : i32
    %dma_wait3A_727 = arith.constant 0 : i32
    %dma_wait3A_728 = tpu.memref_slice %arg6[%dma_wait3A_717, %dma_wait3A_726, %dma_wait3A_727] : memref<6x16x1024xf32, #tpu.memory_space<vmem>> -> memref<1x16x1024xf32, #tpu.memory_space<vmem>>
    %dma_wait3A_729 = tpu.memref_squeeze %dma_wait3A_728 : memref<1x16x1024xf32, #tpu.memory_space<vmem>> -> memref<16x1024xf32, #tpu.memory_space<vmem>>
    tpu.wait_dma2 semaphore(%arg15 : memref<!tpu.dma_semaphore, #tpu.memory_space<semaphore_mem>>) src(%dma_wait3A_729 : memref<16x1024xf32, #tpu.memory_space<vmem>>) dst(%dma_wait3A_725 : memref<16x1024xf32, #tpu.memory_space<hbm>>)
    %dma_wait3A_730 = arith.constant 3 : i32
    %dma_wait3A_731 = arith.constant 0 : i32
    %dma_wait3A_732 = arith.constant 0 : i32
    %dma_wait3A_733 = tpu.memref_slice %arg6[%dma_wait3A_730, %dma_wait3A_731, %dma_wait3A_732] : memref<6x16x1024xf32, #tpu.memory_space<vmem>> -> memref<1x16x1024xf32, #tpu.memory_space<vmem>>
    %dma_wait3A_734 = tpu.memref_squeeze %dma_wait3A_733 : memref<1x16x1024xf32, #tpu.memory_space<vmem>> -> memref<16x1024xf32, #tpu.memory_space<vmem>>
    %dma_wait3A_735 = arith.constant 0 : i32
    %dma_wait3A_736 = tpu.memref_slice %arg4[%add3A_677, %dma_wait3A_735] : memref<8192x1024xf32, #tpu.memory_space<hbm>> -> memref<16x1024xf32, #tpu.memory_space<hbm>>
    %dma_wait3A_737 = arith.constant 0 : i32
    %dma_wait3A_738 = tpu.memref_slice %arg4[%add3A_677, %dma_wait3A_737] : memref<8192x1024xf32, #tpu.memory_space<hbm>> -> memref<16x1024xf32, #tpu.memory_space<hbm>>
    %dma_wait3A_739 = arith.constant 0 : i32
    %dma_wait3A_740 = arith.constant 0 : i32
    %dma_wait3A_741 = tpu.memref_slice %arg6[%dma_wait3A_730, %dma_wait3A_739, %dma_wait3A_740] : memref<6x16x1024xf32, #tpu.memory_space<vmem>> -> memref<1x16x1024xf32, #tpu.memory_space<vmem>>
    %dma_wait3A_742 = tpu.memref_squeeze %dma_wait3A_741 : memref<1x16x1024xf32, #tpu.memory_space<vmem>> -> memref<16x1024xf32, #tpu.memory_space<vmem>>
    tpu.wait_dma2 semaphore(%arg16 : memref<!tpu.dma_semaphore, #tpu.memory_space<semaphore_mem>>) src(%dma_wait3A_742 : memref<16x1024xf32, #tpu.memory_space<vmem>>) dst(%dma_wait3A_738 : memref<16x1024xf32, #tpu.memory_space<hbm>>)
    %dma_wait3A_743 = arith.constant 4 : i32
    %dma_wait3A_744 = arith.constant 0 : i32
    %dma_wait3A_745 = arith.constant 0 : i32
    %dma_wait3A_746 = tpu.memref_slice %arg6[%dma_wait3A_743, %dma_wait3A_744, %dma_wait3A_745] : memref<6x16x1024xf32, #tpu.memory_space<vmem>> -> memref<1x16x1024xf32, #tpu.memory_space<vmem>>
    %dma_wait3A_747 = tpu.memref_squeeze %dma_wait3A_746 : memref<1x16x1024xf32, #tpu.memory_space<vmem>> -> memref<16x1024xf32, #tpu.memory_space<vmem>>
    %dma_wait3A_748 = arith.constant 0 : i32
    %dma_wait3A_749 = tpu.memref_slice %arg4[%add3A_552, %dma_wait3A_748] : memref<8192x1024xf32, #tpu.memory_space<hbm>> -> memref<16x1024xf32, #tpu.memory_space<hbm>>
    %dma_wait3A_750 = arith.constant 0 : i32
    %dma_wait3A_751 = tpu.memref_slice %arg4[%add3A_552, %dma_wait3A_750] : memref<8192x1024xf32, #tpu.memory_space<hbm>> -> memref<16x1024xf32, #tpu.memory_space<hbm>>
    %dma_wait3A_752 = arith.constant 0 : i32
    %dma_wait3A_753 = arith.constant 0 : i32
    %dma_wait3A_754 = tpu.memref_slice %arg6[%dma_wait3A_743, %dma_wait3A_752, %dma_wait3A_753] : memref<6x16x1024xf32, #tpu.memory_space<vmem>> -> memref<1x16x1024xf32, #tpu.memory_space<vmem>>
    %dma_wait3A_755 = tpu.memref_squeeze %dma_wait3A_754 : memref<1x16x1024xf32, #tpu.memory_space<vmem>> -> memref<16x1024xf32, #tpu.memory_space<vmem>>
    tpu.wait_dma2 semaphore(%arg17 : memref<!tpu.dma_semaphore, #tpu.memory_space<semaphore_mem>>) src(%dma_wait3A_755 : memref<16x1024xf32, #tpu.memory_space<vmem>>) dst(%dma_wait3A_751 : memref<16x1024xf32, #tpu.memory_space<hbm>>)
    %dma_wait3A_756 = arith.constant 5 : i32
    %dma_wait3A_757 = arith.constant 0 : i32
    %dma_wait3A_758 = arith.constant 0 : i32
    %dma_wait3A_759 = tpu.memref_slice %arg6[%dma_wait3A_756, %dma_wait3A_757, %dma_wait3A_758] : memref<6x16x1024xf32, #tpu.memory_space<vmem>> -> memref<1x16x1024xf32, #tpu.memory_space<vmem>>
    %dma_wait3A_760 = tpu.memref_squeeze %dma_wait3A_759 : memref<1x16x1024xf32, #tpu.memory_space<vmem>> -> memref<16x1024xf32, #tpu.memory_space<vmem>>
    %dma_wait3A_761 = arith.constant 0 : i32
    %dma_wait3A_762 = tpu.memref_slice %arg4[%add3A_577, %dma_wait3A_761] : memref<8192x1024xf32, #tpu.memory_space<hbm>> -> memref<16x1024xf32, #tpu.memory_space<hbm>>
    %dma_wait3A_763 = arith.constant 0 : i32
    %dma_wait3A_764 = tpu.memref_slice %arg4[%add3A_577, %dma_wait3A_763] : memref<8192x1024xf32, #tpu.memory_space<hbm>> -> memref<16x1024xf32, #tpu.memory_space<hbm>>
    %dma_wait3A_765 = arith.constant 0 : i32
    %dma_wait3A_766 = arith.constant 0 : i32
    %dma_wait3A_767 = tpu.memref_slice %arg6[%dma_wait3A_756, %dma_wait3A_765, %dma_wait3A_766] : memref<6x16x1024xf32, #tpu.memory_space<vmem>> -> memref<1x16x1024xf32, #tpu.memory_space<vmem>>
    %dma_wait3A_768 = tpu.memref_squeeze %dma_wait3A_767 : memref<1x16x1024xf32, #tpu.memory_space<vmem>> -> memref<16x1024xf32, #tpu.memory_space<vmem>>
    tpu.wait_dma2 semaphore(%arg18 : memref<!tpu.dma_semaphore, #tpu.memory_space<semaphore_mem>>) src(%dma_wait3A_768 : memref<16x1024xf32, #tpu.memory_space<vmem>>) dst(%dma_wait3A_764 : memref<16x1024xf32, #tpu.memory_space<hbm>>)
    return
  }
}

module attributes {stable_mosaic.version = 14 : i64} {
  func.func @_tc_body(%arg0: i32, %arg1: i32, %arg2: memref<1024x1024xf32, #tpu.memory_space<vmem>>, %arg3: memref<1024x1024xf32, #tpu.memory_space<vmem>>, %arg4: memref<1024x1xf32, #tpu.memory_space<vmem>>, %arg5: memref<2x1024xf32, #tpu.memory_space<vmem>>, %arg6: memref<1x1024xf32, #tpu.memory_space<vmem>>, %arg7: memref<1x1024xf32, #tpu.memory_space<vmem>>, %arg8: memref<1024x1024xf32, #tpu.memory_space<vmem>>) attributes {dimension_semantics = [#tpu.dimension_semantics<arbitrary>, #tpu.dimension_semantics<arbitrary>], iteration_bounds = array<i64: 2, 4>, scalar_prefetch = 0 : i64, scratch_operands = 0 : i64, tpu.core_type = #tpu.core_type<tc>, window_params = [{transform_indices = @transform_0, window_bounds = array<i64: 1024, 1024>}, {transform_indices = @transform_1, window_bounds = array<i64: 1024, 1024>}, {transform_indices = @transform_2, window_bounds = array<i64: 1024, 1>}, {pipeline_mode = #tpu.pipeline_mode<synchronous>, transform_indices = @transform_3, window_bounds = array<i64: 2, 1024>}, {pipeline_mode = #tpu.pipeline_mode<synchronous>, transform_indices = @transform_4, window_bounds = array<i64: 1, 1024>}, {pipeline_mode = #tpu.pipeline_mode<synchronous>, transform_indices = @transform_5, window_bounds = array<i64: 1, 1024>}, {transform_indices = @transform_6, window_bounds = array<i64: 1024, 1024>}]} {
    %get3A = arith.constant 0 : index
    %get3A_0 = arith.constant 0 : index
    %get3A_1 = vector.load %arg4[%get3A, %get3A_0] : memref<1024x1xf32, #tpu.memory_space<vmem>>, vector<1024x1xf32>
    %get3A_2 = arith.constant 0 : index
    %get3A_3 = arith.constant 0 : index
    %get3A_4 = vector.load %arg5[%get3A_2, %get3A_3] : memref<2x1024xf32, #tpu.memory_space<vmem>>, vector<1x1024xf32>
    %get3A_5 = arith.constant 1 : index
    %get3A_6 = arith.constant 0 : index
    %get3A_7 = vector.load %arg5[%get3A_5, %get3A_6] : memref<2x1024xf32, #tpu.memory_space<vmem>>, vector<1x1024xf32>
    %get3A_8 = arith.constant 0 : index
    %get3A_9 = arith.constant 0 : index
    %get3A_10 = vector.load %arg2[%get3A_8, %get3A_9] : memref<1024x1024xf32, #tpu.memory_space<vmem>>, vector<1024x1024xf32>
    %get3A_11 = arith.constant 0 : index
    %get3A_12 = arith.constant 0 : index
    %get3A_13 = vector.load %arg3[%get3A_11, %get3A_12] : memref<1024x1024xf32, #tpu.memory_space<vmem>>, vector<1024x1024xf32>
    %add3A = arith.addf %get3A_10, %get3A_13 : vector<1024x1024xf32>
    %add3A_14 = vector.broadcast %get3A_4 : vector<1x1024xf32> to vector<1024x1024xf32>
    %add3A_15 = arith.addf %add3A, %add3A_14 : vector<1024x1024xf32>
    %sub3A = arith.subf %get3A_7, %get3A_4 : vector<1x1024xf32>
    %mul3A = vector.broadcast %get3A_1 : vector<1024x1xf32> to vector<1024x1024xf32>
    %mul3A_16 = vector.broadcast %sub3A : vector<1x1024xf32> to vector<1024x1024xf32>
    %mul3A_17 = arith.mulf %mul3A, %mul3A_16 : vector<1024x1024xf32>
    %add3A_18 = arith.addf %add3A_15, %mul3A_17 : vector<1024x1024xf32>
    %reduce_sum3A = arith.constant dense<0.000000e+00> : vector<1024xf32>
    %reduce_sum3A_19 = vector.multi_reduction <add>, %add3A_18, %reduce_sum3A [1] : vector<1024x1024xf32> to vector<1024xf32>
    %broadcast_in_dim3A = vector.shape_cast %reduce_sum3A_19 : vector<1024xf32> to vector<1024x1xf32>
    %div3A = arith.constant 1.024000e+03 : f32
    %div3A_20 = vector.broadcast %div3A : f32 to vector<1024x1xf32>
    %div3A_21 = arith.divf %broadcast_in_dim3A, %div3A_20 : vector<1024x1xf32>
    %sub3A_22 = vector.broadcast %div3A_21 : vector<1024x1xf32> to vector<1024x1024xf32>
    %sub3A_23 = arith.subf %add3A_18, %sub3A_22 : vector<1024x1024xf32>
    %mul3A_24 = arith.mulf %sub3A_23, %sub3A_23 : vector<1024x1024xf32>
    %reduce_sum3A_25 = arith.constant dense<0.000000e+00> : vector<1024xf32>
    %reduce_sum3A_26 = vector.multi_reduction <add>, %mul3A_24, %reduce_sum3A_25 [1] : vector<1024x1024xf32> to vector<1024xf32>
    %broadcast_in_dim3A_27 = vector.shape_cast %reduce_sum3A_26 : vector<1024xf32> to vector<1024x1xf32>
    %div3A_28 = arith.constant 1.024000e+03 : f32
    %div3A_29 = vector.broadcast %div3A_28 : f32 to vector<1024x1xf32>
    %div3A_30 = arith.divf %broadcast_in_dim3A_27, %div3A_29 : vector<1024x1xf32>
    %add3A_31 = arith.constant 9.99999996E-13 : f32
    %add3A_32 = vector.broadcast %add3A_31 : f32 to vector<1024x1xf32>
    %add3A_33 = arith.addf %div3A_30, %add3A_32 : vector<1024x1xf32>
    %rsqrt3A = math.rsqrt %add3A_33 : vector<1024x1xf32>
    %mul3A_34 = vector.broadcast %rsqrt3A : vector<1024x1xf32> to vector<1024x1024xf32>
    %mul3A_35 = arith.mulf %sub3A_23, %mul3A_34 : vector<1024x1024xf32>
    %get3A_36 = arith.constant 0 : index
    %get3A_37 = arith.constant 0 : index
    %get3A_38 = vector.load %arg6[%get3A_36, %get3A_37] : memref<1x1024xf32, #tpu.memory_space<vmem>>, vector<1x1024xf32>
    %mul3A_39 = vector.broadcast %get3A_38 : vector<1x1024xf32> to vector<1024x1024xf32>
    %mul3A_40 = arith.mulf %mul3A_35, %mul3A_39 : vector<1024x1024xf32>
    %get3A_41 = arith.constant 0 : index
    %get3A_42 = arith.constant 0 : index
    %get3A_43 = vector.load %arg7[%get3A_41, %get3A_42] : memref<1x1024xf32, #tpu.memory_space<vmem>>, vector<1x1024xf32>
    %add3A_44 = vector.broadcast %get3A_43 : vector<1x1024xf32> to vector<1024x1024xf32>
    %add3A_45 = arith.addf %mul3A_40, %add3A_44 : vector<1024x1024xf32>
    %swap3A = arith.constant 0 : index
    %swap3A_46 = arith.constant 0 : index
    %swap3A_47 = vector.load %arg8[%swap3A, %swap3A_46] : memref<1024x1024xf32, #tpu.memory_space<vmem>>, vector<1024x1024xf32>
    tpu.vector_store %arg8[%swap3A, %swap3A_46], %add3A_45 {strides = array<i32>} : memref<1024x1024xf32, #tpu.memory_space<vmem>>, vector<1024x1024xf32>,
    return
  }
  func.func @transform_0(%arg0: i32, %arg1: i32) -> (i32, i32) {
    %mul3A = arith.constant 2 : i32
    %mul3A_0 = arith.muli %arg1, %mul3A : i32
    %add3A = arith.addi %mul3A_0, %arg0 : i32
    %c0_i32 = arith.constant 0 : i32
    %c0_i32_1 = arith.constant 0 : i32
    return %add3A, %c0_i32 : i32, i32
  }
  func.func @transform_1(%arg0: i32, %arg1: i32) -> (i32, i32) {
    %c0_i32 = arith.constant 0 : i32
    %c0_i32_0 = arith.constant 0 : i32
    return %arg0, %c0_i32 : i32, i32
  }
  func.func @transform_2(%arg0: i32, %arg1: i32) -> (i32, i32) {
    %mul3A = arith.constant 2 : i32
    %mul3A_0 = arith.muli %arg1, %mul3A : i32
    %add3A = arith.addi %mul3A_0, %arg0 : i32
    %c0_i32 = arith.constant 0 : i32
    %c0_i32_1 = arith.constant 0 : i32
    return %add3A, %c0_i32 : i32, i32
  }
  func.func @transform_3(%arg0: i32, %arg1: i32) -> (i32, i32) {
    %c0_i32 = arith.constant 0 : i32
    %c0_i32_0 = arith.constant 0 : i32
    %c0_i32_1 = arith.constant 0 : i32
    return %c0_i32, %c0_i32_0 : i32, i32
  }
  func.func @transform_4(%arg0: i32, %arg1: i32) -> (i32, i32) {
    %c0_i32 = arith.constant 0 : i32
    %c0_i32_0 = arith.constant 0 : i32
    %c0_i32_1 = arith.constant 0 : i32
    return %c0_i32, %c0_i32_0 : i32, i32
  }
  func.func @transform_5(%arg0: i32, %arg1: i32) -> (i32, i32) {
    %c0_i32 = arith.constant 0 : i32
    %c0_i32_0 = arith.constant 0 : i32
    %c0_i32_1 = arith.constant 0 : i32
    return %c0_i32, %c0_i32_0 : i32, i32
  }
  func.func @transform_6(%arg0: i32, %arg1: i32) -> (i32, i32) {
    %mul3A = arith.constant 2 : i32
    %mul3A_0 = arith.muli %arg1, %mul3A : i32
    %add3A = arith.addi %mul3A_0, %arg0 : i32
    %c0_i32 = arith.constant 0 : i32
    %c0_i32_1 = arith.constant 0 : i32
    return %add3A, %c0_i32 : i32, i32
  }
}

</mosaic_0001>

<sc_bundles>
// kernel: _run.4.cloned.1.call-start
scs
__scs_entry_jumppad:
0x0: {  	(pc) =	sbr.rel $0x88, $3  }
0x1: {  	(tag) =	ssettag $0x0;
	lr =	simm.s32 $0x1  }
0x2: {  	[smem:$0x3F9A] =	sst lr;
	_ =	strace $0xD0000000  }
0x3: {  	_ = 	snop  }
0x4: {  	_ = 	snop  }
0x5: {  	_ = 	snop  }
0x6: {  	_ = 	snop  }
0x7: {  	_ = 	snop  }
__scs_overlays_trampoline_lowered:
0x8: {  	[smem:$0x3FA9] =	sst s0  }
0x9: {  	[smem:$0x3FAA] =	sst s1  }
0xa: {  	[smem:$0x3FAB] =	sst s2  }
0xb: {  	[smem:$0x3FAC] =	sst s3  }
0xc: {  	[smem:$0x3FAD] =	sst s4  }
0xd: {  	[smem:$0x3FAE] =	sst s5  }
0xe: {  	[smem:$0x3FAF] =	sst s6  }
0xf: {  	[smem:$0x3FB0] =	sst s7  }
0x10: {  	[smem:$0x3FB1] =	sst s8  }
0x11: {  	[smem:$0x3FB2] =	sst s9;
	s0 =	simm.s32 @!p0 $0x0  }
0x12: {  	s1 =	sld [smem:$0x3F98];
	s0 =	simm.s32 @p0 $0x1  }
0x13: {  	[smem:$0x3FB3] =	sst s0;
	s0 =	simm.s32 @!p1 $0x0  }
0x14: {  	s2 =	sld [smem:$0x3F97];
	s0 =	simm.s32 @p1 $0x1  }
0x15: {  	[smem:$0x3FB4] =	sst s0;
	s0 =	simm.s32 @!p2 $0x0  }
0x16: {  	s3 =	sld [smem:$0x3FDB];
	s0 =	simm.s32 @p2 $0x1  }
0x17: {  	s4 =	simm.s32 $0x1BF5;
	[smem:$0x3FB6] =	sst s0  }
0x18: {  	s0 =	sld [smem:$0x3F99];
	_ =	swait.ge [sflag:s4], $0x0  }
0x19: {  	s7 =	sld [smem:$0x3F9A]  }
0x1a: {  	s8 =	sadd.s32 $0xFFFFE003, lr  }
0x1b: {  	s9 =	sadd.s32 $0xFFFFFEF7, lr;
	s5 =	simm.s32 $0xFFFFFFFF;
	p2 =	slt.u32 s8, $0xFFFFF086  }
0x1c: {  	p1 =	slt.u32 s9, $0xF7A;
	s5 =	simm.s32 @!p2 $0x0  }
0x1d: {  	s5 =	simm.s32 @p1 $0x1;
	p0 =	seq.s32 s7, s2  }
0x1e: {  	s7 =	smul.u32 @!p0 $0xF7A, s2;
	p2 =	seq.s32 @!p0 s5, $0x0  }
0x1f: {  	s9 =	smul.u32 $0xF7A, s1;
	s8 =	simm.s32 @!p0 $0x1BF5;
	p2 =	por !p2, p0  }
0x20: {  	[sflag:s8] =	ssyncset.s32 @!p0 $0xFFFFF086;
	s6 =	sadd.s32 @!p0 s3, s7;
	s7 =	simm.s32 @!p0 $0x108  }
0x21: {  	s3 =	sadd.s32 s3, s9;
	s6 =	sadd.s32 @!p0 $0x88, s6;
	s7 =	simm.s32 @p2 $0x1082  }
0x22: {  	[simem:s7], [sflag:s8] =	dma.local @!p0 [hbm:s6], $0xF7A  }
0x23: {  	s9 =	sor.u32 $0xD0000000, s2;
	s6 =	simm.s32 $0x108;
	_ =	swait.ge @!p0 [sflag:s8], $0x0  }
0x24: {  	s3 =	sadd.s32 $0x88, s3;
	s6 =	simm.s32 @!p1 $0x1082;
	[sflag:s4] =	ssyncset.s32 $0xFFFFF086  }
0x25: {  	[simem:s6], [sflag:s4] =	dma.local [hbm:s3], $0xF7A  }
0x26: {  	[smem:$0x3F9A] =	sst s1;
	(tag) =	ssettag s2;
	_ =	strace s9  }
0x27: {  	s1 =	sld [smem:$0x3FAA]  }
0x28: {  	s2 =	sld [smem:$0x3FAB]  }
0x29: {  	s4 =	sld [smem:$0x3FAD]  }
0x2a: {  	p0 =	seq.s32 s5, $0x0;
	s5 =	sld [smem:$0x3FAE]  }
0x2b: {  	s6 =	sld [smem:$0x3FAF]  }
0x2c: {  	s7 =	sld [smem:$0x3FB0]  }
0x2d: {  	s3 =	simm.s32 $0x108;
	s8 =	sld [smem:$0x3FB1]  }
0x2e: {  	s3 =	simm.s32 @!p0 $0x1082;
	s9 =	sld [smem:$0x3FB2]  }
0x2f: {  	lr =	sadd.s32 s0, s3;
	s0 =	sld [smem:$0x3FA9]  }
0x30: {  	s3 =	sld [smem:$0x3FAC]  }
0x31: {  	[smem:$0x3FB5] =	sst s10  }
0x32: {  	s10 =	sld [smem:$0x3FB3];
	_ =	sdelay $0x3  }
0x33: {  	p0 =	seq.s32 s10, $0x1;
	s10 =	sld [smem:$0x3FB5];
	_ =	sdelay $0x3  }
0x34: {  	[smem:$0x3FB5] =	sst s10  }
0x35: {  	s10 =	sld [smem:$0x3FB4];
	_ =	sdelay $0x3  }
0x36: {  	p1 =	seq.s32 s10, $0x1;
	s10 =	sld [smem:$0x3FB5];
	_ =	sdelay $0x3  }
0x37: {  	[smem:$0x3FB5] =	sst s10  }
0x38: {  	s10 =	sld [smem:$0x3FB6]  }
0x39: {  	_ = 	snop;
	(pc) =	sbr.ind lr, $3  }
0x3a: {  	_ = 	snop  }
0x3b: {  	_ = 	snop  }
0x3c: {  	p2 =	seq.s32 s10, $0x1;
	s10 =	sld [smem:$0x3FB5]  }
0x3d: {  	_ =	shalt  }
0x3e: {  	_ =	shalt  }
0x3f: {  	_ =	shalt  }
0x40: {  	_ =	shalt  }
0x41: {  	_ =	shalt  }
0x42: {  	_ =	shalt  }
0x43: {  	_ =	shalt  }
0x44: {  	_ =	shalt  }
0x45: {  	_ =	shalt  }
0x46: {  	_ =	shalt  }
0x47: {  	_ =	shalt  }
0x48: {  	_ =	shalt  }
0x49: {  	_ =	shalt  }
0x4a: {  	_ =	shalt  }
0x4b: {  	_ =	shalt  }
0x4c: {  	_ =	shalt  }
0x4d: {  	_ =	shalt  }
0x4e: {  	_ =	shalt  }
0x4f: {  	_ =	shalt  }
0x50: {  	_ =	shalt  }
0x51: {  	_ =	shalt  }
0x52: {  	_ =	shalt  }
0x53: {  	_ =	shalt  }
0x54: {  	_ =	shalt  }
0x55: {  	_ =	shalt  }
0x56: {  	_ =	shalt  }
0x57: {  	_ =	shalt  }
0x58: {  	_ =	shalt  }
0x59: {  	_ =	shalt  }
0x5a: {  	_ =	shalt  }
0x5b: {  	_ =	shalt  }
0x5c: {  	_ =	shalt  }
0x5d: {  	_ =	shalt  }
0x5e: {  	_ =	shalt  }
0x5f: {  	_ =	shalt  }
0x60: {  	_ =	shalt  }
0x61: {  	_ =	shalt  }
0x62: {  	_ =	shalt  }
0x63: {  	_ =	shalt  }
0x64: {  	_ =	shalt  }
0x65: {  	_ =	shalt  }
0x66: {  	_ =	shalt  }
0x67: {  	_ =	shalt  }
0x68: {  	_ =	shalt  }
0x69: {  	_ =	shalt  }
0x6a: {  	_ =	shalt  }
0x6b: {  	_ =	shalt  }
0x6c: {  	_ =	shalt  }
0x6d: {  	_ =	shalt  }
0x6e: {  	_ =	shalt  }
0x6f: {  	_ =	shalt  }
0x70: {  	_ =	shalt  }
0x71: {  	_ =	shalt  }
0x72: {  	_ =	shalt  }
0x73: {  	_ =	shalt  }
0x74: {  	_ =	shalt  }
0x75: {  	_ =	shalt  }
0x76: {  	_ =	shalt  }
0x77: {  	_ =	shalt  }
0x78: {  	_ =	shalt  }
0x79: {  	_ =	shalt  }
0x7a: {  	_ =	shalt  }
0x7b: {  	_ =	shalt  }
0x7c: {  	_ =	shalt  }
0x7d: {  	_ =	shalt  }
0x7e: {  	_ =	shalt  }
0x7f: {  	_ =	shalt  }
0x80: {  	_ =	shalt  }
0x81: {  	_ =	shalt  }
0x82: {  	_ =	shalt  }
0x83: {  	_ =	shalt  }
0x84: {  	_ =	shalt  }
0x85: {  	_ =	shalt  }
0x86: {  	_ =	shalt  }
0x87: {  	_ =	shalt  }
.Lfunc_end0:
.L_simem_size_0:
called_computation_lowered:
.L_overlay_start_0:
0x88: {  	s2 =	sld [smem:$0x3FD9]  }
0x89: {  	s3 =	sld [smem:$0x3FFE];
	_ =	sdelay $0x1  }
0x8a: {  	s1 =	srdreg.scid  }
0x8b: {  	s0 =	sand.u32 $0x1, s1  }
0x8c: {  	s17 =	sshll.u32 s0, $0xA;
	s2 =	sadd.s32 s3, s2  }
0x8d: {  	s2 =	sadd.s32 s2, s17  }
0x8e: {  	[smem:$0x3FC1] =	sst s2  }
0x8f: {  	_ = 	snop  }
0x90: {  	s2 =	sld [smem:$0x3FC9]  }
0x91: {  	s18 =	sld [smem:$0x3FC7];
	(tm) =	ssettm $0x1  }
0x92: {  	s4 =	sld [smem:$0x3FFB];
	_ =	sdelay $0x3  }
0x93: {  	_ =	strace s4  }
0x94: {  	s4 =	sld [smem:$0x3FFC];
	_ =	sdelay $0x3  }
0x95: {  	_ =	strace s4  }
0x96: {  	s4 =	sld [smem:$0x3FFD];
	_ =	sdelay $0x3  }
0x97: {  	_ =	strace s4  }
0x98: {  	_ =	strace $0x8FFFFFFF  }
0x99: {  	s19 =	sld [smem:$0x3FDB];
	_ =	sdelay $0x1  }
0x9a: {  	s5 =	simm.s32 $_scs_section_size  }
0x9b: {  	s6 =	simm.s32 $_size__tile_overlayer_lowered;
	s7 =	simm.s32 $_tile_overlayer_lowered  }
0x9c: {  	s22 =	simm.s32 $0x1BFF;
	s21 =	sshll.u32 s7, $0x1;
	s4 =	sadd.s32 s5, s19  }
0x9d: {  	s8 =	simm.s32 $0x0;
	s20 =	sshll.u32 s6, $0x1;
	s6 =	sadd.s32 s21, s4  }
0x9e: {  	[timem:s8], [sflag:s22] =	dma.local [hbm:s6], s20  }
0x9f: {  	_ =	swait.ge [sflag:s22], s20  }
0xa0: {  	s5 =	ssub.s32 $0x0, s20;
	[sflag:s22] =	ssyncset.done $0x0  }
0xa1: {  	[sflag:s22] =	ssyncadd.s32 s5;
	_ =	sdelay $0x1  }
0xa2: {  	s23 =	simm.s32 $0x1B8B  }
0xa3: {  	_ =	swait.ge [sflag:s23], $0x1  }
0xa4: {  	[sflag:s23] =	ssyncset.done $0x0  }
0xa5: {  	s25 =	simm.s32 $0x1B8E;
	s24 =	sld [smem:$0x3FFE];
	[sflag:s23] =	ssyncadd.s32 $0xFFFFFFFF  }
0xa6: {  	s26 =	simm.s32 $execute0_lowered;
	[smem:$0x3FD2] =	sst s25  }
0xa7: {  	s6 =	sshll.u32 s26, $0x1;
	_ =	strace $0x80000046;
	[dreg:$0x1] =	wrdreg $0xFFFFFFFF  }
0xa8: {  	s28 =	simm.s32 $_size_execute0_lowered;
	s4 =	sadd.s32 s4, s6;
	[dreg:$0x0] =	wrdreg $0x0  }
0xa9: {  	s6 =	sshll.u32 s28, $0x1;
	[dreg:$0x2] =	wrdreg s4  }
0xaa: {  	[dreg:$0x3] =	wrdreg s6  }
0xab: {  	[dreg:$0x4] =	wrdreg $0xC0  }
0xac: {  	_ =	task [dreg:s8], $0x5FFFF  }
0xad: {  	[dreg:$0x1] =	wrdreg $0xFFFFFFFF  }
0xae: {  	[dreg:$0x0] =	wrdreg $0x60  }
0xaf: {  	[dreg:$0x2] =	wrdreg s2  }
0xb0: {  	[dreg:$0x3] =	wrdreg s18  }
0xb1: {  	[dreg:$0x4] =	wrdreg s24  }
0xb2: {  	[dreg:$0x5] =	wrdreg $0x9  }
0xb3: {  	_ =	task.clear_ibuf [dreg:s8], $0x6FFFF;
	_ =	strace $0x90000046  }
0xb4: {  	s29 =	simm.s32 $0x9;
	_ =	strace $0x80000048  }
0xb5: {  	_ =	swait.ge [sflag:s29], $0x1  }
0xb6: {  	[sflag:s29] =	ssyncadd.s32 $0xFFFFFFFF  }
0xb7: {  	_ =	strace $0x90000048  }
0xb8: {  	_ =	sfence  }
0xb9: {  	s30 =	sld [smem:$0x0];
	_ =	sdelay $0x2  }
0xba: {  	s31 =	sshll.u32 s1, $0xD;
	s1 =	sshrl.u32 s1, $0x2  }
0xbb: {  	s3 =	sand.u32 $0x4000, s31;
	s1 =	sadd.s32 s1, s30  }
0xbc: {  	s0 =	sor.u32 s3, s0;
	s1 =	sshll.u32 s1, $0x11  }
0xbd: {  	s0 =	sor.u32 s1, s0  }
0xbe: {  	s0 =	sadd.s32 $0x8F2B, s0  }
0xbf: {  	[sflag:s0] =	ssyncadd.remote.s32 $0x1  }
0xc0: {  	_ =	sfence.sel $0xFFFF  }
0xc1: {  	[dreg:$0x0] =	wrdreg $0xFFFFFFFF;
	(pc) =	sbr.abs _section_cstart, $3  }
0xc2: {  	[dreg:$0x1] =	wrdreg $0xFFFFFFFF  }
0xc3: {  	_ =	task.clear_ibuf [dreg:s8], $0x2FFFF;
	_ =	strace $0x9FFFFFFF  }
0xc4: {  	(tm) =	ssettm $0x7FFFFFFF  }
0xc5: {  	_ =	shalt  }
tec
execute0_lowered:
.L_overlay_start_1:
0x0: {  	(tag) =	ssettag $0x1  }
0x1: {  	s1 =	srdreg.scid  }
0x2: {  	s0 =	rddreg [dreg:$0x0];
	s3 =	stileid.u32;
	s1 =	sand.u32 $0x1, s1  }
0x3: {  	s2 =	rddreg [dreg:$0x1];
	s5 =	sshll.u32 s3, $0x9;
	s6 =	sshll.u32 s1, $0x8  }
0x4: {  	s4 =	rddreg [dreg:$0x2];
	s5 =	sor.u32 s6, s5  }
0x5: {  	s3 =	simm.s32 $0x0;
	s6 =	sshll.u32 s5, $0x7;
	s5 =	sshrl.u32 s5, $0x3  }
0x6: {  	[smem:$0x7FF] =	sst s3;
	s7 =	sadd.s32 s6, s4;
	s0 =	sadd.s32 s0, s5  }
0x7: {  	_ =	strace $0x80000047;
	[dreg:$0x4] =	wrdreg s0;
	s10 =	sadd.s32 $0xE00, s7  }
0x8: {  	s11 =	sadd.s32 $0x1600, s7;
	[dreg:$0x5] =	wrdreg s10  }
0x9: {  	s12 =	sadd.s32 $0x1E00, s7;
	[dreg:$0x6] =	wrdreg s11  }
0xa: {  	s13 =	sadd.s32 $0x2600, s7;
	[dreg:$0x7] =	wrdreg s12  }
0xb: {  	s14 =	sadd.s32 $0x2E00, s7;
	[dreg:$0x8] =	wrdreg s13  }
0xc: {  	s28 =	simm.s32 $0x4;
	s15 =	sadd.s32 $0x3600, s7;
	[dreg:$0x9] =	wrdreg s14  }
0xd: {  	s29 =	simm.s32 $0xA;
	s16 =	sadd.s32 $0x3E00, s7;
	[dreg:$0xa] =	wrdreg s15  }
0xe: {  	s30 =	simm.s32 $0x8100;
	s17 =	sadd.s32 $0x4600, s7;
	[dreg:$0xb] =	wrdreg s16  }
0xf: {  	s8 =	simm.s32 $0xC100;
	s18 =	sadd.s32 $0x4E00, s7;
	[dreg:$0xc] =	wrdreg s17  }
0x10: {  	s31 =	simm.s32 $0x11100;
	s19 =	sadd.s32 $0x5600, s7;
	[dreg:$0xd] =	wrdreg s18  }
0x11: {  	s1 =	ssub.s32 $0x2, s1;
	s20 =	sadd.s32 $0x5E00, s7;
	[dreg:$0xe] =	wrdreg s19  }
0x12: {  	s21 =	sshrl.u32 s1, $0x1;
	s22 =	sadd.s32 $0x6600, s7;
	[dreg:$0xf] =	wrdreg s20  }
0x13: {  	s1 =	ssub.s32 s1, s21;
	s23 =	sadd.s32 $0x6E00, s7;
	[dreg:$0x10] =	wrdreg s22  }
0x14: {  	s21 =	simm.s32 $0x7;
	s24 =	sadd.s32 $0x7600, s7;
	[dreg:$0x11] =	wrdreg s23  }
0x15: {  	s4 =	sadd.s32 $0x100, s2;
	s25 =	sadd.s32 $0x7E00, s7;
	[dreg:$0x12] =	wrdreg s24  }
0x16: {  	s5 =	sadd.s32 $0x200, s2;
	s26 =	sadd.s32 $0x8600, s7;
	[dreg:$0x13] =	wrdreg s25  }
0x17: {  	s6 =	sadd.s32 $0x300, s2;
	s7 =	smax.u32 s1, $0x1;
	[dreg:$0x14] =	wrdreg s26  }
0x18: {  	s15 =	simm.s32 $0x1;
	s22 =	simm.s32 $0x2;
	s23 =	simm.s32 $0x8  }
0x19: {  	v2 =	vlaneseq.u32;
	s24 =	simm.s32 $0x3;
	s26 =	simm.s32 $0x9;
	s17 =	simm.s32 $0x100  }
0x1a: {  	vm0 =	vmmov $0xffff;
	v1 =	vshrl.u32 v2, $0x3;
	s25 =	simm.s32 $0x4100;
	s19 =	simm.s32 $0x10900;
	s14 =	simm.s32 $0x11900  }
0x1b: {  	v0 =	vand.u32 $0x7, v2;
	v2 =	vor.u32 $0x8, v2;
	v1 =	vmul.u32 $0x8, v1;
	s13 =	simm.s32 $0x12100;
	s16 =	simm.s32 $0x16100;
	s18 =	simm.s32 $0x16900  }
.LBB2_1:
0x1c: {  	s10 =	rddreg [dreg:$0x4];
	s9 =	simm.s32 $0xD  }
0x1d: {  	[tilespmem:s3], [sflag:$0xD] =	stream.linear.gather [hbm4b:s10+s3], $0x100, $0x38;
	[tilespmem:$0x18100] =	vst v63  }
0x1e: {  	_ =	swait.ge [sflag:s9], $0x100  }
0x1f: {  	[sflag:s9] =	ssyncset.done $0x0  }
0x20: {  	[sflag:s9] =	ssyncadd.s32 $0xFFFFFF00  }
0x21: {  	v3 =	vld [tilespmem:$0x0];
	_ =	sdelay $0x4  }
0x22: {  	v4 =	vshll.u32 v3, $0x3  }
0x23: {  	v3 =	vand.u32 $0x7, v3;
	v4 =	vand.u32 $0xFFFFFFC0, v4  }
0x24: {  	v3 =	vor.u32 v3, v4  }
0x25: {  	v4 =	vperm.xlane v3, v0;
	_ =	sdelay $0x1  }
0x26: {  	v4 =	vadd.s32 v1, v4;
	_ =	sdelay $0x4  }
0x27: {  	[tilespmem:s17], [sflag:$0x1] =	stream.indirect_vreg.gather [hbm4b:s2+s3], $0x80, v4, vm0, $0xb8;
	[tilespmem:$0x18100] =	vst v63  }
0x28: {  	s0 =	simm.s32 $0x900;
	v3 =	vperm.xlane v3, v2  }
0x29: {  	[tilespmem:s0], [sflag:$0x1] =	stream.indirect_vreg.gather [hbm4b:s4+s3], $0x80, v4, vm0, $0xb8;
	[tilespmem:$0x18100] =	vst v63  }
0x2a: {  	s11 =	simm.s32 $0x1100;
	v3 =	vadd.s32 v1, v3  }
0x2b: {  	[tilespmem:s11], [sflag:$0x1] =	stream.indirect_vreg.gather [hbm4b:s5+s3], $0x80, v4, vm0, $0xb8;
	[tilespmem:$0x18100] =	vst v63  }
0x2c: {  	s12 =	simm.s32 $0x1900  }
0x2d: {  	[tilespmem:s12], [sflag:$0x1] =	stream.indirect_vreg.gather [hbm4b:s6+s3], $0x80, v4, vm0, $0xb8;
	[tilespmem:$0x18100] =	vst v63  }
0x2e: {  	s20 =	simm.s32 $0x2100  }
0x2f: {  	[tilespmem:s20], [sflag:$0x1] =	stream.indirect_vreg.gather [hbm4b:s2+s3], $0x80, v3, vm0, $0xb8;
	[tilespmem:$0x18100] =	vst v63  }
0x30: {  	s9 =	simm.s32 $0x2900  }
0x31: {  	[tilespmem:s9], [sflag:$0x1] =	stream.indirect_vreg.gather [hbm4b:s4+s3], $0x80, v3, vm0, $0xb8;
	[tilespmem:$0x18100] =	vst v63  }
0x32: {  	s10 =	simm.s32 $0x3100  }
0x33: {  	[tilespmem:s10], [sflag:$0x1] =	stream.indirect_vreg.gather [hbm4b:s5+s3], $0x80, v3, vm0, $0xb8;
	[tilespmem:$0x18100] =	vst v63  }
0x34: {  	s11 =	simm.s32 $0x3900  }
0x35: {  	[tilespmem:s11], [sflag:$0x1] =	stream.indirect_vreg.gather [hbm4b:s6+s3], $0x80, v3, vm0, $0xb8;
	[tilespmem:$0x18100] =	vst v63  }
0x36: {  	v3 =	vld [tilespmem:$0x10];
	_ =	sdelay $0x4  }
0x37: {  	v49 =	vshll.u32 v3, $0x3  }
0x38: {  	v3 =	vand.u32 $0x7, v3;
	v4 =	vand.u32 $0xFFFFFFC0, v49  }
0x39: {  	v3 =	vor.u32 v3, v4  }
0x3a: {  	v4 =	vperm.xlane v3, v0;
	_ =	sdelay $0x1  }
0x3b: {  	v4 =	vadd.s32 v1, v4;
	_ =	sdelay $0x4  }
0x3c: {  	[tilespmem:s25], [sflag:$0x2] =	stream.indirect_vreg.gather [hbm4b:s2+s3], $0x80, v4, vm0, $0xb8;
	[tilespmem:$0x18100] =	vst v63  }
0x3d: {  	s12 =	simm.s32 $0x4900;
	v3 =	vperm.xlane v3, v2  }
0x3e: {  	[tilespmem:s12], [sflag:$0x2] =	stream.indirect_vreg.gather [hbm4b:s4+s3], $0x80, v4, vm0, $0xb8;
	[tilespmem:$0x18100] =	vst v63  }
0x3f: {  	s9 =	simm.s32 $0x5100;
	v3 =	vadd.s32 v1, v3  }
0x40: {  	[tilespmem:s9], [sflag:$0x2] =	stream.indirect_vreg.gather [hbm4b:s5+s3], $0x80, v4, vm0, $0xb8;
	[tilespmem:$0x18100] =	vst v63  }
0x41: {  	s10 =	simm.s32 $0x5900  }
0x42: {  	[tilespmem:s10], [sflag:$0x2] =	stream.indirect_vreg.gather [hbm4b:s6+s3], $0x80, v4, vm0, $0xb8;
	[tilespmem:$0x18100] =	vst v63  }
0x43: {  	s11 =	simm.s32 $0x6100  }
0x44: {  	[tilespmem:s11], [sflag:$0x2] =	stream.indirect_vreg.gather [hbm4b:s2+s3], $0x80, v3, vm0, $0xb8;
	[tilespmem:$0x18100] =	vst v63  }
0x45: {  	s12 =	simm.s32 $0x6900  }
0x46: {  	[tilespmem:s12], [sflag:$0x2] =	stream.indirect_vreg.gather [hbm4b:s4+s3], $0x80, v3, vm0, $0xb8;
	[tilespmem:$0x18100] =	vst v63  }
0x47: {  	s9 =	simm.s32 $0x7100  }
0x48: {  	[tilespmem:s9], [sflag:$0x2] =	stream.indirect_vreg.gather [hbm4b:s5+s3], $0x80, v3, vm0, $0xb8;
	[tilespmem:$0x18100] =	vst v63  }
0x49: {  	s10 =	simm.s32 $0x7900  }
0x4a: {  	[tilespmem:s10], [sflag:$0x2] =	stream.indirect_vreg.gather [hbm4b:s6+s3], $0x80, v3, vm0, $0xb8;
	[tilespmem:$0x18100] =	vst v63  }
0x4b: {  	v3 =	vld [tilespmem:$0x20];
	_ =	sdelay $0x4  }
0x4c: {  	v50 =	vshll.u32 v3, $0x3  }
0x4d: {  	v3 =	vand.u32 $0x7, v3;
	v4 =	vand.u32 $0xFFFFFFC0, v50  }
0x4e: {  	v3 =	vor.u32 v3, v4  }
0x4f: {  	v4 =	vperm.xlane v3, v0;
	_ =	sdelay $0x1  }
0x50: {  	v4 =	vadd.s32 v1, v4;
	_ =	sdelay $0x4  }
0x51: {  	[tilespmem:s30], [sflag:$0x3] =	stream.indirect_vreg.gather [hbm4b:s2+s3], $0x80, v4, vm0, $0xb8;
	[tilespmem:$0x18100] =	vst v63  }
0x52: {  	s11 =	simm.s32 $0x8900;
	v3 =	vperm.xlane v3, v2  }
0x53: {  	[tilespmem:s11], [sflag:$0x3] =	stream.indirect_vreg.gather [hbm4b:s4+s3], $0x80, v4, vm0, $0xb8;
	[tilespmem:$0x18100] =	vst v63  }
0x54: {  	s12 =	simm.s32 $0x9100;
	v3 =	vadd.s32 v1, v3  }
0x55: {  	[tilespmem:s12], [sflag:$0x3] =	stream.indirect_vreg.gather [hbm4b:s5+s3], $0x80, v4, vm0, $0xb8;
	[tilespmem:$0x18100] =	vst v63  }
0x56: {  	s9 =	simm.s32 $0x9900  }
0x57: {  	[tilespmem:s9], [sflag:$0x3] =	stream.indirect_vreg.gather [hbm4b:s6+s3], $0x80, v4, vm0, $0xb8;
	[tilespmem:$0x18100] =	vst v63  }
0x58: {  	s10 =	simm.s32 $0xA100  }
0x59: {  	[tilespmem:s10], [sflag:$0x3] =	stream.indirect_vreg.gather [hbm4b:s2+s3], $0x80, v3, vm0, $0xb8;
	[tilespmem:$0x18100] =	vst v63  }
0x5a: {  	s11 =	simm.s32 $0xA900  }
0x5b: {  	[tilespmem:s11], [sflag:$0x3] =	stream.indirect_vreg.gather [hbm4b:s4+s3], $0x80, v3, vm0, $0xb8;
	[tilespmem:$0x18100] =	vst v63  }
0x5c: {  	s12 =	simm.s32 $0xB100  }
0x5d: {  	[tilespmem:s12], [sflag:$0x3] =	stream.indirect_vreg.gather [hbm4b:s5+s3], $0x80, v3, vm0, $0xb8;
	[tilespmem:$0x18100] =	vst v63  }
0x5e: {  	s9 =	simm.s32 $0xB900  }
0x5f: {  	[tilespmem:s9], [sflag:$0x3] =	stream.indirect_vreg.gather [hbm4b:s6+s3], $0x80, v3, vm0, $0xb8;
	[tilespmem:$0x18100] =	vst v63  }
0x60: {  	v3 =	vld [tilespmem:$0x30];
	_ =	sdelay $0x4  }
0x61: {  	v51 =	vshll.u32 v3, $0x3  }
0x62: {  	v3 =	vand.u32 $0x7, v3;
	v4 =	vand.u32 $0xFFFFFFC0, v51  }
0x63: {  	v3 =	vor.u32 v3, v4  }
0x64: {  	v4 =	vperm.xlane v3, v0;
	_ =	sdelay $0x1  }
0x65: {  	v4 =	vadd.s32 v1, v4;
	_ =	sdelay $0x4  }
0x66: {  	[tilespmem:s8], [sflag:$0x4] =	stream.indirect_vreg.gather [hbm4b:s2+s3], $0x80, v4, vm0, $0xb8;
	[tilespmem:$0x18100] =	vst v63  }
0x67: {  	s10 =	simm.s32 $0xC900;
	v3 =	vperm.xlane v3, v2  }
0x68: {  	[tilespmem:s10], [sflag:$0x4] =	stream.indirect_vreg.gather [hbm4b:s4+s3], $0x80, v4, vm0, $0xb8;
	[tilespmem:$0x18100] =	vst v63  }
0x69: {  	s11 =	simm.s32 $0xD100;
	v3 =	vadd.s32 v1, v3  }
0x6a: {  	[tilespmem:s11], [sflag:$0x4] =	stream.indirect_vreg.gather [hbm4b:s5+s3], $0x80, v4, vm0, $0xb8;
	[tilespmem:$0x18100] =	vst v63  }
0x6b: {  	s12 =	simm.s32 $0xD900  }
0x6c: {  	[tilespmem:s12], [sflag:$0x4] =	stream.indirect_vreg.gather [hbm4b:s6+s3], $0x80, v4, vm0, $0xb8;
	[tilespmem:$0x18100] =	vst v63  }
0x6d: {  	s9 =	simm.s32 $0xE100  }
0x6e: {  	[tilespmem:s9], [sflag:$0x4] =	stream.indirect_vreg.gather [hbm4b:s2+s3], $0x80, v3, vm0, $0xb8;
	[tilespmem:$0x18100] =	vst v63  }
0x6f: {  	s10 =	simm.s32 $0xE900  }
0x70: {  	[tilespmem:s10], [sflag:$0x4] =	stream.indirect_vreg.gather [hbm4b:s4+s3], $0x80, v3, vm0, $0xb8;
	[tilespmem:$0x18100] =	vst v63  }
0x71: {  	s11 =	simm.s32 $0xF100  }
0x72: {  	[tilespmem:s11], [sflag:$0x4] =	stream.indirect_vreg.gather [hbm4b:s5+s3], $0x80, v3, vm0, $0xb8;
	[tilespmem:$0x18100] =	vst v63  }
0x73: {  	s12 =	simm.s32 $0xF900  }
0x74: {  	[tilespmem:s12], [sflag:$0x4] =	stream.indirect_vreg.gather [hbm4b:s6+s3], $0x80, v3, vm0, $0xb8;
	[tilespmem:$0x18100] =	vst v63  }
0x75: {  	v3 =	vld [tilespmem:$0x40];
	_ =	sdelay $0x4  }
0x76: {  	v52 =	vshll.u32 v3, $0x3  }
0x77: {  	v3 =	vand.u32 $0x7, v3;
	v4 =	vand.u32 $0xFFFFFFC0, v52  }
0x78: {  	v3 =	vor.u32 v3, v4  }
0x79: {  	v4 =	vperm.xlane v3, v0;
	_ =	sdelay $0x1  }
0x7a: {  	v4 =	vadd.s32 v1, v4;
	_ =	sdelay $0x3  }
0x7b: {  	s9 =	simm.s32 $0x10100  }
0x7c: {  	[tilespmem:s9], [sflag:$0x5] =	stream.indirect_vreg.gather [hbm4b:s2+s3], $0x80, v4, vm0, $0xb8;
	[tilespmem:$0x18100] =	vst v63  }
0x7d: {  	v3 =	vperm.xlane v3, v2  }
0x7e: {  	[tilespmem:s19], [sflag:$0x5] =	stream.indirect_vreg.gather [hbm4b:s4+s3], $0x80, v4, vm0, $0xb8;
	[tilespmem:$0x18100] =	vst v63  }
0x7f: {  	v3 =	vadd.s32 v1, v3  }
0x80: {  	[tilespmem:s31], [sflag:$0x5] =	stream.indirect_vreg.gather [hbm4b:s5+s3], $0x80, v4, vm0, $0xb8;
	[tilespmem:$0x18100] =	vst v63  }
0x81: {  	_ = 	snop  }
0x82: {  	[tilespmem:s14], [sflag:$0x5] =	stream.indirect_vreg.gather [hbm4b:s6+s3], $0x80, v4, vm0, $0xb8;
	[tilespmem:$0x18100] =	vst v63  }
0x83: {  	_ = 	snop  }
0x84: {  	[tilespmem:s13], [sflag:$0x5] =	stream.indirect_vreg.gather [hbm4b:s2+s3], $0x80, v3, vm0, $0xb8;
	[tilespmem:$0x18100] =	vst v63  }
0x85: {  	s9 =	simm.s32 $0x12900  }
0x86: {  	[tilespmem:s9], [sflag:$0x5] =	stream.indirect_vreg.gather [hbm4b:s4+s3], $0x80, v3, vm0, $0xb8;
	[tilespmem:$0x18100] =	vst v63  }
0x87: {  	s11 =	simm.s32 $0x13100  }
0x88: {  	[tilespmem:s11], [sflag:$0x5] =	stream.indirect_vreg.gather [hbm4b:s5+s3], $0x80, v3, vm0, $0xb8;
	[tilespmem:$0x18100] =	vst v63  }
0x89: {  	s12 =	simm.s32 $0x13900  }
0x8a: {  	[tilespmem:s12], [sflag:$0x5] =	stream.indirect_vreg.gather [hbm4b:s6+s3], $0x80, v3, vm0, $0xb8;
	[tilespmem:$0x18100] =	vst v63  }
0x8b: {  	v3 =	vld [tilespmem:$0x50];
	_ =	sdelay $0x4  }
0x8c: {  	v53 =	vshll.u32 v3, $0x3  }
0x8d: {  	v3 =	vand.u32 $0x7, v3;
	v4 =	vand.u32 $0xFFFFFFC0, v53  }
0x8e: {  	v3 =	vor.u32 v3, v4  }
0x8f: {  	v4 =	vperm.xlane v3, v0;
	_ =	sdelay $0x1  }
0x90: {  	v4 =	vadd.s32 v1, v4;
	_ =	sdelay $0x3  }
0x91: {  	s10 =	simm.s32 $0x14100  }
0x92: {  	[tilespmem:s10], [sflag:$0x6] =	stream.indirect_vreg.gather [hbm4b:s2+s3], $0x80, v4, vm0, $0xb8;
	[tilespmem:$0x18100] =	vst v63  }
0x93: {  	v3 =	vperm.xlane v3, v2;
	s10 =	simm.s32 $0x14900  }
0x94: {  	[tilespmem:s10], [sflag:$0x6] =	stream.indirect_vreg.gather [hbm4b:s4+s3], $0x80, v4, vm0, $0xb8;
	[tilespmem:$0x18100] =	vst v63  }
0x95: {  	v3 =	vadd.s32 v1, v3;
	s10 =	simm.s32 $0x15100  }
0x96: {  	[tilespmem:s10], [sflag:$0x6] =	stream.indirect_vreg.gather [hbm4b:s5+s3], $0x80, v4, vm0, $0xb8;
	[tilespmem:$0x18100] =	vst v63  }
0x97: {  	s10 =	simm.s32 $0x15900  }
0x98: {  	[tilespmem:s10], [sflag:$0x6] =	stream.indirect_vreg.gather [hbm4b:s6+s3], $0x80, v4, vm0, $0xb8;
	[tilespmem:$0x18100] =	vst v63  }
0x99: {  	_ = 	snop  }
0x9a: {  	[tilespmem:s16], [sflag:$0x6] =	stream.indirect_vreg.gather [hbm4b:s2+s3], $0x80, v3, vm0, $0xb8;
	[tilespmem:$0x18100] =	vst v63  }
0x9b: {  	_ = 	snop  }
0x9c: {  	[tilespmem:s18], [sflag:$0x6] =	stream.indirect_vreg.gather [hbm4b:s4+s3], $0x80, v3, vm0, $0xb8;
	[tilespmem:$0x18100] =	vst v63  }
0x9d: {  	s10 =	simm.s32 $0x17100  }
0x9e: {  	[tilespmem:s10], [sflag:$0x6] =	stream.indirect_vreg.gather [hbm4b:s5+s3], $0x80, v3, vm0, $0xb8;
	[tilespmem:$0x18100] =	vst v63  }
0x9f: {  	s10 =	simm.s32 $0x17900  }
0xa0: {  	[tilespmem:s10], [sflag:$0x6] =	stream.indirect_vreg.gather [hbm4b:s6+s3], $0x80, v3, vm0, $0xb8;
	[tilespmem:$0x18100] =	vst v63  }
0xa1: {  	_ =	swait.ge [sflag:s15], $0x4000  }
0xa2: {  	[sflag:s15] =	ssyncset.done $0x0  }
0xa3: {  	s0 =	rddreg [dreg:$0x5];
	[sflag:s15] =	ssyncadd.s32 $0xFFFFC000  }
0xa4: {  	[hbm4b:s0+s3] =	stream.linear.scatter [tilespmem:s17], [sflag:$0x7], $0x4000, $0x38;
	[tilespmem:$0x18100] =	vst v63  }
0xa5: {  	_ =	swait.ge [sflag:s21], $0x4000  }
0xa6: {  	[sflag:s21] =	ssyncset.done $0x0  }
0xa7: {  	[sflag:s21] =	ssyncadd.s32 $0xFFFFC000  }
0xa8: {  	v3 =	vld [tilespmem:$0x60];
	_ =	sdelay $0x4  }
0xa9: {  	v54 =	vshll.u32 v3, $0x3  }
0xaa: {  	v3 =	vand.u32 $0x7, v3;
	v4 =	vand.u32 $0xFFFFFFC0, v54  }
0xab: {  	v3 =	vor.u32 v3, v4  }
0xac: {  	v4 =	vperm.xlane v3, v0;
	_ =	sdelay $0x1  }
0xad: {  	v4 =	vadd.s32 v1, v4;
	_ =	sdelay $0x4  }
0xae: {  	[tilespmem:s17], [sflag:$0x1] =	stream.indirect_vreg.gather [hbm4b:s2+s3], $0x80, v4, vm0, $0xb8;
	[tilespmem:$0x18100] =	vst v63  }
0xaf: {  	s1 =	simm.s32 $0x900;
	v3 =	vperm.xlane v3, v2  }
0xb0: {  	[tilespmem:s1], [sflag:$0x1] =	stream.indirect_vreg.gather [hbm4b:s4+s3], $0x80, v4, vm0, $0xb8;
	[tilespmem:$0x18100] =	vst v63  }
0xb1: {  	s10 =	simm.s32 $0x1100;
	v3 =	vadd.s32 v1, v3  }
0xb2: {  	[tilespmem:s10], [sflag:$0x1] =	stream.indirect_vreg.gather [hbm4b:s5+s3], $0x80, v4, vm0, $0xb8;
	[tilespmem:$0x18100] =	vst v63  }
0xb3: {  	s1 =	simm.s32 $0x1900  }
0xb4: {  	[tilespmem:s1], [sflag:$0x1] =	stream.indirect_vreg.gather [hbm4b:s6+s3], $0x80, v4, vm0, $0xb8;
	[tilespmem:$0x18100] =	vst v63  }
0xb5: {  	s10 =	simm.s32 $0x2100  }
0xb6: {  	[tilespmem:s10], [sflag:$0x1] =	stream.indirect_vreg.gather [hbm4b:s2+s3], $0x80, v3, vm0, $0xb8;
	[tilespmem:$0x18100] =	vst v63  }
0xb7: {  	s1 =	simm.s32 $0x2900  }
0xb8: {  	[tilespmem:s1], [sflag:$0x1] =	stream.indirect_vreg.gather [hbm4b:s4+s3], $0x80, v3, vm0, $0xb8;
	[tilespmem:$0x18100] =	vst v63  }
0xb9: {  	s10 =	simm.s32 $0x3100  }
0xba: {  	[tilespmem:s10], [sflag:$0x1] =	stream.indirect_vreg.gather [hbm4b:s5+s3], $0x80, v3, vm0, $0xb8;
	[tilespmem:$0x18100] =	vst v63  }
0xbb: {  	s20 =	simm.s32 $0x3900  }
0xbc: {  	[tilespmem:s20], [sflag:$0x1] =	stream.indirect_vreg.gather [hbm4b:s6+s3], $0x80, v3, vm0, $0xb8;
	[tilespmem:$0x18100] =	vst v63  }
0xbd: {  	_ =	swait.ge [sflag:s22], $0x4000  }
0xbe: {  	[sflag:s22] =	ssyncset.done $0x0  }
0xbf: {  	s1 =	rddreg [dreg:$0x6];
	[sflag:s22] =	ssyncadd.s32 $0xFFFFC000  }
0xc0: {  	[hbm4b:s1+s3] =	stream.linear.scatter [tilespmem:s25], [sflag:$0x8], $0x4000, $0x38;
	[tilespmem:$0x18100] =	vst v63  }
0xc1: {  	_ =	swait.ge [sflag:s23], $0x4000  }
0xc2: {  	[sflag:s23] =	ssyncset.done $0x0  }
0xc3: {  	[sflag:s23] =	ssyncadd.s32 $0xFFFFC000  }
0xc4: {  	v3 =	vld [tilespmem:$0x70];
	_ =	sdelay $0x4  }
0xc5: {  	v55 =	vshll.u32 v3, $0x3  }
0xc6: {  	v3 =	vand.u32 $0x7, v3;
	v4 =	vand.u32 $0xFFFFFFC0, v55  }
0xc7: {  	v3 =	vor.u32 v3, v4  }
0xc8: {  	v4 =	vperm.xlane v3, v0;
	_ =	sdelay $0x1  }
0xc9: {  	v4 =	vadd.s32 v1, v4;
	_ =	sdelay $0x4  }
0xca: {  	[tilespmem:s25], [sflag:$0x2] =	stream.indirect_vreg.gather [hbm4b:s2+s3], $0x80, v4, vm0, $0xb8;
	[tilespmem:$0x18100] =	vst v63  }
0xcb: {  	s20 =	simm.s32 $0x4900;
	v3 =	vperm.xlane v3, v2  }
0xcc: {  	[tilespmem:s20], [sflag:$0x2] =	stream.indirect_vreg.gather [hbm4b:s4+s3], $0x80, v4, vm0, $0xb8;
	[tilespmem:$0x18100] =	vst v63  }
0xcd: {  	s1 =	simm.s32 $0x5100;
	v3 =	vadd.s32 v1, v3  }
0xce: {  	[tilespmem:s1], [sflag:$0x2] =	stream.indirect_vreg.gather [hbm4b:s5+s3], $0x80, v4, vm0, $0xb8;
	[tilespmem:$0x18100] =	vst v63  }
0xcf: {  	s10 =	simm.s32 $0x5900  }
0xd0: {  	[tilespmem:s10], [sflag:$0x2] =	stream.indirect_vreg.gather [hbm4b:s6+s3], $0x80, v4, vm0, $0xb8;
	[tilespmem:$0x18100] =	vst v63  }
0xd1: {  	s20 =	simm.s32 $0x6100  }
0xd2: {  	[tilespmem:s20], [sflag:$0x2] =	stream.indirect_vreg.gather [hbm4b:s2+s3], $0x80, v3, vm0, $0xb8;
	[tilespmem:$0x18100] =	vst v63  }
0xd3: {  	s1 =	simm.s32 $0x6900  }
0xd4: {  	[tilespmem:s1], [sflag:$0x2] =	stream.indirect_vreg.gather [hbm4b:s4+s3], $0x80, v3, vm0, $0xb8;
	[tilespmem:$0x18100] =	vst v63  }
0xd5: {  	s10 =	simm.s32 $0x7100  }
0xd6: {  	[tilespmem:s10], [sflag:$0x2] =	stream.indirect_vreg.gather [hbm4b:s5+s3], $0x80, v3, vm0, $0xb8;
	[tilespmem:$0x18100] =	vst v63  }
0xd7: {  	s20 =	simm.s32 $0x7900  }
0xd8: {  	[tilespmem:s20], [sflag:$0x2] =	stream.indirect_vreg.gather [hbm4b:s6+s3], $0x80, v3, vm0, $0xb8;
	[tilespmem:$0x18100] =	vst v63  }
0xd9: {  	_ =	swait.ge [sflag:s24], $0x4000  }
0xda: {  	[sflag:s24] =	ssyncset.done $0x0  }
0xdb: {  	s1 =	rddreg [dreg:$0x7];
	[sflag:s24] =	ssyncadd.s32 $0xFFFFC000  }
0xdc: {  	[hbm4b:s1+s3] =	stream.linear.scatter [tilespmem:s30], [sflag:$0x9], $0x4000, $0x38;
	[tilespmem:$0x18100] =	vst v63  }
0xdd: {  	_ =	swait.ge [sflag:s26], $0x4000  }
0xde: {  	[sflag:s26] =	ssyncset.done $0x0  }
0xdf: {  	[sflag:s26] =	ssyncadd.s32 $0xFFFFC000  }
0xe0: {  	v3 =	vld [tilespmem:$0x80];
	_ =	sdelay $0x4  }
0xe1: {  	v56 =	vshll.u32 v3, $0x3  }
0xe2: {  	v3 =	vand.u32 $0x7, v3;
	v4 =	vand.u32 $0xFFFFFFC0, v56  }
0xe3: {  	v3 =	vor.u32 v3, v4  }
0xe4: {  	v4 =	vperm.xlane v3, v0;
	_ =	sdelay $0x1  }
0xe5: {  	v4 =	vadd.s32 v1, v4;
	_ =	sdelay $0x4  }
0xe6: {  	[tilespmem:s30], [sflag:$0x3] =	stream.indirect_vreg.gather [hbm4b:s2+s3], $0x80, v4, vm0, $0xb8;
	[tilespmem:$0x18100] =	vst v63  }
0xe7: {  	s20 =	simm.s32 $0x8900;
	v3 =	vperm.xlane v3, v2  }
0xe8: {  	[tilespmem:s20], [sflag:$0x3] =	stream.indirect_vreg.gather [hbm4b:s4+s3], $0x80, v4, vm0, $0xb8;
	[tilespmem:$0x18100] =	vst v63  }
0xe9: {  	s1 =	simm.s32 $0x9100;
	v3 =	vadd.s32 v1, v3  }
0xea: {  	[tilespmem:s1], [sflag:$0x3] =	stream.indirect_vreg.gather [hbm4b:s5+s3], $0x80, v4, vm0, $0xb8;
	[tilespmem:$0x18100] =	vst v63  }
0xeb: {  	s10 =	simm.s32 $0x9900  }
0xec: {  	[tilespmem:s10], [sflag:$0x3] =	stream.indirect_vreg.gather [hbm4b:s6+s3], $0x80, v4, vm0, $0xb8;
	[tilespmem:$0x18100] =	vst v63  }
0xed: {  	s20 =	simm.s32 $0xA100  }
0xee: {  	[tilespmem:s20], [sflag:$0x3] =	stream.indirect_vreg.gather [hbm4b:s2+s3], $0x80, v3, vm0, $0xb8;
	[tilespmem:$0x18100] =	vst v63  }
0xef: {  	s1 =	simm.s32 $0xA900  }
0xf0: {  	[tilespmem:s1], [sflag:$0x3] =	stream.indirect_vreg.gather [hbm4b:s4+s3], $0x80, v3, vm0, $0xb8;
	[tilespmem:$0x18100] =	vst v63  }
0xf1: {  	s10 =	simm.s32 $0xB100  }
0xf2: {  	[tilespmem:s10], [sflag:$0x3] =	stream.indirect_vreg.gather [hbm4b:s5+s3], $0x80, v3, vm0, $0xb8;
	[tilespmem:$0x18100] =	vst v63  }
0xf3: {  	s20 =	simm.s32 $0xB900  }
0xf4: {  	[tilespmem:s20], [sflag:$0x3] =	stream.indirect_vreg.gather [hbm4b:s6+s3], $0x80, v3, vm0, $0xb8;
	[tilespmem:$0x18100] =	vst v63  }
0xf5: {  	_ =	swait.ge [sflag:s28], $0x4000  }
0xf6: {  	[sflag:s28] =	ssyncset.done $0x0  }
0xf7: {  	s1 =	rddreg [dreg:$0x8];
	[sflag:s28] =	ssyncadd.s32 $0xFFFFC000  }
0xf8: {  	[hbm4b:s1+s3] =	stream.linear.scatter [tilespmem:s8], [sflag:$0xA], $0x4000, $0x38;
	[tilespmem:$0x18100] =	vst v63  }
0xf9: {  	_ =	swait.ge [sflag:s29], $0x4000  }
0xfa: {  	[sflag:s29] =	ssyncset.done $0x0  }
0xfb: {  	[sflag:s29] =	ssyncadd.s32 $0xFFFFC000  }
0xfc: {  	v3 =	vld [tilespmem:$0x90];
	_ =	sdelay $0x4  }
0xfd: {  	v57 =	vshll.u32 v3, $0x3  }
0xfe: {  	v3 =	vand.u32 $0x7, v3;
	v4 =	vand.u32 $0xFFFFFFC0, v57  }
0xff: {  	v3 =	vor.u32 v3, v4  }
0x100: {  	v4 =	vperm.xlane v3, v0;
	_ =	sdelay $0x1  }
0x101: {  	v4 =	vadd.s32 v1, v4;
	_ =	sdelay $0x4  }
0x102: {  	[tilespmem:s8], [sflag:$0x4] =	stream.indirect_vreg.gather [hbm4b:s2+s3], $0x80, v4, vm0, $0xb8;
	[tilespmem:$0x18100] =	vst v63  }
0x103: {  	s20 =	simm.s32 $0xC900;
	v3 =	vperm.xlane v3, v2  }
0x104: {  	[tilespmem:s20], [sflag:$0x4] =	stream.indirect_vreg.gather [hbm4b:s4+s3], $0x80, v4, vm0, $0xb8;
	[tilespmem:$0x18100] =	vst v63  }
0x105: {  	s1 =	simm.s32 $0xD100;
	v3 =	vadd.s32 v1, v3  }
0x106: {  	[tilespmem:s1], [sflag:$0x4] =	stream.indirect_vreg.gather [hbm4b:s5+s3], $0x80, v4, vm0, $0xb8;
	[tilespmem:$0x18100] =	vst v63  }
0x107: {  	s10 =	simm.s32 $0xD900  }
0x108: {  	[tilespmem:s10], [sflag:$0x4] =	stream.indirect_vreg.gather [hbm4b:s6+s3], $0x80, v4, vm0, $0xb8;
	[tilespmem:$0x18100] =	vst v63  }
0x109: {  	s20 =	simm.s32 $0xE100  }
0x10a: {  	[tilespmem:s20], [sflag:$0x4] =	stream.indirect_vreg.gather [hbm4b:s2+s3], $0x80, v3, vm0, $0xb8;
	[tilespmem:$0x18100] =	vst v63  }
0x10b: {  	s1 =	simm.s32 $0xE900  }
0x10c: {  	[tilespmem:s1], [sflag:$0x4] =	stream.indirect_vreg.gather [hbm4b:s4+s3], $0x80, v3, vm0, $0xb8;
	[tilespmem:$0x18100] =	vst v63  }
0x10d: {  	s10 =	simm.s32 $0xF100  }
0x10e: {  	[tilespmem:s10], [sflag:$0x4] =	stream.indirect_vreg.gather [hbm4b:s5+s3], $0x80, v3, vm0, $0xb8;
	[tilespmem:$0x18100] =	vst v63  }
0x10f: {  	s0 =	simm.s32 $0x5;
	s20 =	simm.s32 $0xF900  }
0x110: {  	[tilespmem:s20], [sflag:$0x4] =	stream.indirect_vreg.gather [hbm4b:s6+s3], $0x80, v3, vm0, $0xb8;
	[tilespmem:$0x18100] =	vst v63  }
0x111: {  	_ =	swait.ge [sflag:s0], $0x4000  }
0x112: {  	[sflag:s0] =	ssyncset.done $0x0  }
0x113: {  	s20 =	simm.s32 $0x10100;
	s1 =	rddreg [dreg:$0x9];
	[sflag:s0] =	ssyncadd.s32 $0xFFFFC000  }
0x114: {  	[hbm4b:s1+s3] =	stream.linear.scatter [tilespmem:s20], [sflag:$0xB], $0x4000, $0x38;
	[tilespmem:$0x18100] =	vst v63  }
0x115: {  	s1 =	simm.s32 $0xB  }
0x116: {  	_ =	swait.ge [sflag:s1], $0x4000  }
0x117: {  	[sflag:s1] =	ssyncset.done $0x0  }
0x118: {  	[sflag:s1] =	ssyncadd.s32 $0xFFFFC000  }
0x119: {  	v3 =	vld [tilespmem:$0xA0];
	_ =	sdelay $0x4  }
0x11a: {  	v58 =	vshll.u32 v3, $0x3  }
0x11b: {  	v3 =	vand.u32 $0x7, v3;
	v4 =	vand.u32 $0xFFFFFFC0, v58  }
0x11c: {  	v3 =	vor.u32 v3, v4  }
0x11d: {  	v4 =	vperm.xlane v3, v0;
	_ =	sdelay $0x1  }
0x11e: {  	v4 =	vadd.s32 v1, v4;
	_ =	sdelay $0x4  }
0x11f: {  	[tilespmem:s20], [sflag:$0x5] =	stream.indirect_vreg.gather [hbm4b:s2+s3], $0x80, v4, vm0, $0xb8;
	[tilespmem:$0x18100] =	vst v63  }
0x120: {  	v3 =	vperm.xlane v3, v2  }
0x121: {  	[tilespmem:s19], [sflag:$0x5] =	stream.indirect_vreg.gather [hbm4b:s4+s3], $0x80, v4, vm0, $0xb8;
	[tilespmem:$0x18100] =	vst v63  }
0x122: {  	v3 =	vadd.s32 v1, v3  }
0x123: {  	[tilespmem:s31], [sflag:$0x5] =	stream.indirect_vreg.gather [hbm4b:s5+s3], $0x80, v4, vm0, $0xb8;
	[tilespmem:$0x18100] =	vst v63  }
0x124: {  	_ = 	snop  }
0x125: {  	[tilespmem:s14], [sflag:$0x5] =	stream.indirect_vreg.gather [hbm4b:s6+s3], $0x80, v4, vm0, $0xb8;
	[tilespmem:$0x18100] =	vst v63  }
0x126: {  	_ = 	snop  }
0x127: {  	[tilespmem:s13], [sflag:$0x5] =	stream.indirect_vreg.gather [hbm4b:s2+s3], $0x80, v3, vm0, $0xb8;
	[tilespmem:$0x18100] =	vst v63  }
0x128: {  	_ = 	snop  }
0x129: {  	[tilespmem:s9], [sflag:$0x5] =	stream.indirect_vreg.gather [hbm4b:s4+s3], $0x80, v3, vm0, $0xb8;
	[tilespmem:$0x18100] =	vst v63  }
0x12a: {  	_ = 	snop  }
0x12b: {  	[tilespmem:s11], [sflag:$0x5] =	stream.indirect_vreg.gather [hbm4b:s5+s3], $0x80, v3, vm0, $0xb8;
	[tilespmem:$0x18100] =	vst v63  }
0x12c: {  	s9 =	simm.s32 $0x6  }
0x12d: {  	[tilespmem:s12], [sflag:$0x5] =	stream.indirect_vreg.gather [hbm4b:s6+s3], $0x80, v3, vm0, $0xb8;
	[tilespmem:$0x18100] =	vst v63  }
0x12e: {  	_ =	swait.ge [sflag:s9], $0x4000  }
0x12f: {  	[sflag:s9] =	ssyncset.done $0x0  }
0x130: {  	s12 =	simm.s32 $0x14100;
	s11 =	rddreg [dreg:$0xa];
	[sflag:s9] =	ssyncadd.s32 $0xFFFFC000  }
0x131: {  	[hbm4b:s11+s3] =	stream.linear.scatter [tilespmem:s12], [sflag:$0xC], $0x4000, $0x38;
	[tilespmem:$0x18100] =	vst v63  }
0x132: {  	s11 =	simm.s32 $0xC  }
0x133: {  	_ =	swait.ge [sflag:s11], $0x4000  }
0x134: {  	[sflag:s11] =	ssyncset.done $0x0  }
0x135: {  	[sflag:s11] =	ssyncadd.s32 $0xFFFFC000  }
0x136: {  	v3 =	vld [tilespmem:$0xB0];
	_ =	sdelay $0x4  }
0x137: {  	v59 =	vshll.u32 v3, $0x3  }
0x138: {  	v3 =	vand.u32 $0x7, v3;
	v4 =	vand.u32 $0xFFFFFFC0, v59  }
0x139: {  	v3 =	vor.u32 v3, v4  }
0x13a: {  	v4 =	vperm.xlane v3, v0;
	_ =	sdelay $0x1  }
0x13b: {  	v4 =	vadd.s32 v1, v4;
	_ =	sdelay $0x4  }
0x13c: {  	[tilespmem:s12], [sflag:$0x6] =	stream.indirect_vreg.gather [hbm4b:s2+s3], $0x80, v4, vm0, $0xb8;
	[tilespmem:$0x18100] =	vst v63  }
0x13d: {  	s10 =	simm.s32 $0x14900;
	v3 =	vperm.xlane v3, v2  }
0x13e: {  	[tilespmem:s10], [sflag:$0x6] =	stream.indirect_vreg.gather [hbm4b:s4+s3], $0x80, v4, vm0, $0xb8;
	[tilespmem:$0x18100] =	vst v63  }
0x13f: {  	v3 =	vadd.s32 v1, v3;
	s10 =	simm.s32 $0x15100  }
0x140: {  	[tilespmem:s10], [sflag:$0x6] =	stream.indirect_vreg.gather [hbm4b:s5+s3], $0x80, v4, vm0, $0xb8;
	[tilespmem:$0x18100] =	vst v63  }
0x141: {  	s10 =	simm.s32 $0x15900  }
0x142: {  	[tilespmem:s10], [sflag:$0x6] =	stream.indirect_vreg.gather [hbm4b:s6+s3], $0x80, v4, vm0, $0xb8;
	[tilespmem:$0x18100] =	vst v63  }
0x143: {  	_ = 	snop  }
0x144: {  	[tilespmem:s16], [sflag:$0x6] =	stream.indirect_vreg.gather [hbm4b:s2+s3], $0x80, v3, vm0, $0xb8;
	[tilespmem:$0x18100] =	vst v63  }
0x145: {  	_ = 	snop  }
0x146: {  	[tilespmem:s18], [sflag:$0x6] =	stream.indirect_vreg.gather [hbm4b:s4+s3], $0x80, v3, vm0, $0xb8;
	[tilespmem:$0x18100] =	vst v63  }
0x147: {  	s10 =	simm.s32 $0x17100  }
0x148: {  	[tilespmem:s10], [sflag:$0x6] =	stream.indirect_vreg.gather [hbm4b:s5+s3], $0x80, v3, vm0, $0xb8;
	[tilespmem:$0x18100] =	vst v63  }
0x149: {  	s10 =	simm.s32 $0x17900  }
0x14a: {  	[tilespmem:s10], [sflag:$0x6] =	stream.indirect_vreg.gather [hbm4b:s6+s3], $0x80, v3, vm0, $0xb8;
	[tilespmem:$0x18100] =	vst v63  }
0x14b: {  	_ =	swait.ge [sflag:s15], $0x4000  }
0x14c: {  	[sflag:s15] =	ssyncset.done $0x0  }
0x14d: {  	s10 =	rddreg [dreg:$0xb];
	[sflag:s15] =	ssyncadd.s32 $0xFFFFC000  }
0x14e: {  	[hbm4b:s10+s3] =	stream.linear.scatter [tilespmem:s17], [sflag:$0x7], $0x4000, $0x38;
	[tilespmem:$0x18100] =	vst v63  }
0x14f: {  	_ =	swait.ge [sflag:s21], $0x4000  }
0x150: {  	[sflag:s21] =	ssyncset.done $0x0  }
0x151: {  	[sflag:s21] =	ssyncadd.s32 $0xFFFFC000  }
0x152: {  	v3 =	vld [tilespmem:$0xC0];
	_ =	sdelay $0x4  }
0x153: {  	v60 =	vshll.u32 v3, $0x3  }
0x154: {  	v3 =	vand.u32 $0x7, v3;
	v4 =	vand.u32 $0xFFFFFFC0, v60  }
0x155: {  	v3 =	vor.u32 v3, v4  }
0x156: {  	v4 =	vperm.xlane v3, v0;
	_ =	sdelay $0x1  }
0x157: {  	v4 =	vadd.s32 v1, v4;
	_ =	sdelay $0x4  }
0x158: {  	[tilespmem:s17], [sflag:$0x1] =	stream.indirect_vreg.gather [hbm4b:s2+s3], $0x80, v4, vm0, $0xb8;
	[tilespmem:$0x18100] =	vst v63  }
0x159: {  	s10 =	simm.s32 $0x900;
	v3 =	vperm.xlane v3, v2  }
0x15a: {  	[tilespmem:s10], [sflag:$0x1] =	stream.indirect_vreg.gather [hbm4b:s4+s3], $0x80, v4, vm0, $0xb8;
	[tilespmem:$0x18100] =	vst v63  }
0x15b: {  	v3 =	vadd.s32 v1, v3;
	s10 =	simm.s32 $0x1100  }
0x15c: {  	[tilespmem:s10], [sflag:$0x1] =	stream.indirect_vreg.gather [hbm4b:s5+s3], $0x80, v4, vm0, $0xb8;
	[tilespmem:$0x18100] =	vst v63  }
0x15d: {  	s10 =	simm.s32 $0x1900  }
0x15e: {  	[tilespmem:s10], [sflag:$0x1] =	stream.indirect_vreg.gather [hbm4b:s6+s3], $0x80, v4, vm0, $0xb8;
	[tilespmem:$0x18100] =	vst v63  }
0x15f: {  	s10 =	simm.s32 $0x2100  }
0x160: {  	[tilespmem:s10], [sflag:$0x1] =	stream.indirect_vreg.gather [hbm4b:s2+s3], $0x80, v3, vm0, $0xb8;
	[tilespmem:$0x18100] =	vst v63  }
0x161: {  	s10 =	simm.s32 $0x2900  }
0x162: {  	[tilespmem:s10], [sflag:$0x1] =	stream.indirect_vreg.gather [hbm4b:s4+s3], $0x80, v3, vm0, $0xb8;
	[tilespmem:$0x18100] =	vst v63  }
0x163: {  	s10 =	simm.s32 $0x3100  }
0x164: {  	[tilespmem:s10], [sflag:$0x1] =	stream.indirect_vreg.gather [hbm4b:s5+s3], $0x80, v3, vm0, $0xb8;
	[tilespmem:$0x18100] =	vst v63  }
0x165: {  	s10 =	simm.s32 $0x3900  }
0x166: {  	[tilespmem:s10], [sflag:$0x1] =	stream.indirect_vreg.gather [hbm4b:s6+s3], $0x80, v3, vm0, $0xb8;
	[tilespmem:$0x18100] =	vst v63  }
0x167: {  	_ =	swait.ge [sflag:s22], $0x4000  }
0x168: {  	[sflag:s22] =	ssyncset.done $0x0  }
0x169: {  	s10 =	rddreg [dreg:$0xc];
	[sflag:s22] =	ssyncadd.s32 $0xFFFFC000  }
0x16a: {  	[hbm4b:s10+s3] =	stream.linear.scatter [tilespmem:s25], [sflag:$0x8], $0x4000, $0x38;
	[tilespmem:$0x18100] =	vst v63  }
0x16b: {  	_ =	swait.ge [sflag:s23], $0x4000  }
0x16c: {  	[sflag:s23] =	ssyncset.done $0x0  }
0x16d: {  	[sflag:s23] =	ssyncadd.s32 $0xFFFFC000  }
0x16e: {  	v3 =	vld [tilespmem:$0xD0];
	_ =	sdelay $0x4  }
0x16f: {  	v61 =	vshll.u32 v3, $0x3  }
0x170: {  	v3 =	vand.u32 $0x7, v3;
	v4 =	vand.u32 $0xFFFFFFC0, v61  }
0x171: {  	v3 =	vor.u32 v3, v4  }
0x172: {  	v4 =	vperm.xlane v3, v0;
	_ =	sdelay $0x1  }
0x173: {  	v4 =	vadd.s32 v1, v4;
	_ =	sdelay $0x4  }
0x174: {  	[tilespmem:s25], [sflag:$0x2] =	stream.indirect_vreg.gather [hbm4b:s2+s3], $0x80, v4, vm0, $0xb8;
	[tilespmem:$0x18100] =	vst v63  }
0x175: {  	s10 =	simm.s32 $0x4900;
	v3 =	vperm.xlane v3, v2  }
0x176: {  	[tilespmem:s10], [sflag:$0x2] =	stream.indirect_vreg.gather [hbm4b:s4+s3], $0x80, v4, vm0, $0xb8;
	[tilespmem:$0x18100] =	vst v63  }
0x177: {  	v3 =	vadd.s32 v1, v3;
	s10 =	simm.s32 $0x5100  }
0x178: {  	[tilespmem:s10], [sflag:$0x2] =	stream.indirect_vreg.gather [hbm4b:s5+s3], $0x80, v4, vm0, $0xb8;
	[tilespmem:$0x18100] =	vst v63  }
0x179: {  	s10 =	simm.s32 $0x5900  }
0x17a: {  	[tilespmem:s10], [sflag:$0x2] =	stream.indirect_vreg.gather [hbm4b:s6+s3], $0x80, v4, vm0, $0xb8;
	[tilespmem:$0x18100] =	vst v63  }
0x17b: {  	s10 =	simm.s32 $0x6100  }
0x17c: {  	[tilespmem:s10], [sflag:$0x2] =	stream.indirect_vreg.gather [hbm4b:s2+s3], $0x80, v3, vm0, $0xb8;
	[tilespmem:$0x18100] =	vst v63  }
0x17d: {  	s10 =	simm.s32 $0x6900  }
0x17e: {  	[tilespmem:s10], [sflag:$0x2] =	stream.indirect_vreg.gather [hbm4b:s4+s3], $0x80, v3, vm0, $0xb8;
	[tilespmem:$0x18100] =	vst v63  }
0x17f: {  	s10 =	simm.s32 $0x7100  }
0x180: {  	[tilespmem:s10], [sflag:$0x2] =	stream.indirect_vreg.gather [hbm4b:s5+s3], $0x80, v3, vm0, $0xb8;
	[tilespmem:$0x18100] =	vst v63  }
0x181: {  	s10 =	simm.s32 $0x7900  }
0x182: {  	[tilespmem:s10], [sflag:$0x2] =	stream.indirect_vreg.gather [hbm4b:s6+s3], $0x80, v3, vm0, $0xb8;
	[tilespmem:$0x18100] =	vst v63  }
0x183: {  	_ =	swait.ge [sflag:s24], $0x4000  }
0x184: {  	[sflag:s24] =	ssyncset.done $0x0  }
0x185: {  	s10 =	rddreg [dreg:$0xd];
	[sflag:s24] =	ssyncadd.s32 $0xFFFFC000  }
0x186: {  	[hbm4b:s10+s3] =	stream.linear.scatter [tilespmem:s30], [sflag:$0x9], $0x4000, $0x38;
	[tilespmem:$0x18100] =	vst v63  }
0x187: {  	_ =	swait.ge [sflag:s26], $0x4000  }
0x188: {  	[sflag:s26] =	ssyncset.done $0x0  }
0x189: {  	[sflag:s26] =	ssyncadd.s32 $0xFFFFC000  }
0x18a: {  	v3 =	vld [tilespmem:$0xE0];
	_ =	sdelay $0x4  }
0x18b: {  	v62 =	vshll.u32 v3, $0x3  }
0x18c: {  	v3 =	vand.u32 $0x7, v3;
	v4 =	vand.u32 $0xFFFFFFC0, v62  }
0x18d: {  	v3 =	vor.u32 v3, v4  }
0x18e: {  	v4 =	vperm.xlane v3, v0;
	_ =	sdelay $0x1  }
0x18f: {  	v4 =	vadd.s32 v1, v4;
	_ =	sdelay $0x4  }
0x190: {  	[tilespmem:s30], [sflag:$0x3] =	stream.indirect_vreg.gather [hbm4b:s2+s3], $0x80, v4, vm0, $0xb8;
	[tilespmem:$0x18100] =	vst v63  }
0x191: {  	s10 =	simm.s32 $0x8900;
	v3 =	vperm.xlane v3, v2  }
0x192: {  	[tilespmem:s10], [sflag:$0x3] =	stream.indirect_vreg.gather [hbm4b:s4+s3], $0x80, v4, vm0, $0xb8;
	[tilespmem:$0x18100] =	vst v63  }
0x193: {  	v3 =	vadd.s32 v1, v3;
	s10 =	simm.s32 $0x9100  }
0x194: {  	[tilespmem:s10], [sflag:$0x3] =	stream.indirect_vreg.gather [hbm4b:s5+s3], $0x80, v4, vm0, $0xb8;
	[tilespmem:$0x18100] =	vst v63  }
0x195: {  	s10 =	simm.s32 $0x9900  }
0x196: {  	[tilespmem:s10], [sflag:$0x3] =	stream.indirect_vreg.gather [hbm4b:s6+s3], $0x80, v4, vm0, $0xb8;
	[tilespmem:$0x18100] =	vst v63  }
0x197: {  	s10 =	simm.s32 $0xA100  }
0x198: {  	[tilespmem:s10], [sflag:$0x3] =	stream.indirect_vreg.gather [hbm4b:s2+s3], $0x80, v3, vm0, $0xb8;
	[tilespmem:$0x18100] =	vst v63  }
0x199: {  	s10 =	simm.s32 $0xA900  }
0x19a: {  	[tilespmem:s10], [sflag:$0x3] =	stream.indirect_vreg.gather [hbm4b:s4+s3], $0x80, v3, vm0, $0xb8;
	[tilespmem:$0x18100] =	vst v63  }
0x19b: {  	s10 =	simm.s32 $0xB100  }
0x19c: {  	[tilespmem:s10], [sflag:$0x3] =	stream.indirect_vreg.gather [hbm4b:s5+s3], $0x80, v3, vm0, $0xb8;
	[tilespmem:$0x18100] =	vst v63  }
0x19d: {  	s10 =	simm.s32 $0xB900  }
0x19e: {  	[tilespmem:s10], [sflag:$0x3] =	stream.indirect_vreg.gather [hbm4b:s6+s3], $0x80, v3, vm0, $0xb8;
	[tilespmem:$0x18100] =	vst v63  }
0x19f: {  	_ =	swait.ge [sflag:s28], $0x4000  }
0x1a0: {  	[sflag:s28] =	ssyncset.done $0x0  }
0x1a1: {  	s10 =	rddreg [dreg:$0xe];
	[sflag:s28] =	ssyncadd.s32 $0xFFFFC000  }
0x1a2: {  	[hbm4b:s10+s3] =	stream.linear.scatter [tilespmem:s8], [sflag:$0xA], $0x4000, $0x38;
	[tilespmem:$0x18100] =	vst v63  }
0x1a3: {  	_ =	swait.ge [sflag:s29], $0x4000  }
0x1a4: {  	[sflag:s29] =	ssyncset.done $0x0  }
0x1a5: {  	[sflag:s29] =	ssyncadd.s32 $0xFFFFC000  }
0x1a6: {  	v3 =	vld [tilespmem:$0xF0];
	_ =	sdelay $0x4  }
0x1a7: {  	v63 =	vshll.u32 v3, $0x3  }
0x1a8: {  	v3 =	vand.u32 $0x7, v3;
	v4 =	vand.u32 $0xFFFFFFC0, v63  }
0x1a9: {  	v3 =	vor.u32 v3, v4  }
0x1aa: {  	v4 =	vperm.xlane v3, v0;
	_ =	sdelay $0x1  }
0x1ab: {  	v4 =	vadd.s32 v1, v4;
	_ =	sdelay $0x4  }
0x1ac: {  	[tilespmem:s8], [sflag:$0x4] =	stream.indirect_vreg.gather [hbm4b:s2+s3], $0x80, v4, vm0, $0xb8;
	[tilespmem:$0x18100] =	vst v63  }
0x1ad: {  	s10 =	simm.s32 $0xC900;
	v3 =	vperm.xlane v3, v2  }
0x1ae: {  	[tilespmem:s10], [sflag:$0x4] =	stream.indirect_vreg.gather [hbm4b:s4+s3], $0x80, v4, vm0, $0xb8;
	[tilespmem:$0x18100] =	vst v63  }
0x1af: {  	v3 =	vadd.s32 v1, v3;
	s10 =	simm.s32 $0xD100  }
0x1b0: {  	[tilespmem:s10], [sflag:$0x4] =	stream.indirect_vreg.gather [hbm4b:s5+s3], $0x80, v4, vm0, $0xb8;
	[tilespmem:$0x18100] =	vst v63  }
0x1b1: {  	s10 =	simm.s32 $0xD900  }
0x1b2: {  	[tilespmem:s10], [sflag:$0x4] =	stream.indirect_vreg.gather [hbm4b:s6+s3], $0x80, v4, vm0, $0xb8;
	[tilespmem:$0x18100] =	vst v63  }
0x1b3: {  	s10 =	simm.s32 $0xE100  }
0x1b4: {  	[tilespmem:s10], [sflag:$0x4] =	stream.indirect_vreg.gather [hbm4b:s2+s3], $0x80, v3, vm0, $0xb8;
	[tilespmem:$0x18100] =	vst v63  }
0x1b5: {  	s10 =	simm.s32 $0xE900  }
0x1b6: {  	[tilespmem:s10], [sflag:$0x4] =	stream.indirect_vreg.gather [hbm4b:s4+s3], $0x80, v3, vm0, $0xb8;
	[tilespmem:$0x18100] =	vst v63  }
0x1b7: {  	s10 =	simm.s32 $0xF100  }
0x1b8: {  	[tilespmem:s10], [sflag:$0x4] =	stream.indirect_vreg.gather [hbm4b:s5+s3], $0x80, v3, vm0, $0xb8;
	[tilespmem:$0x18100] =	vst v63  }
0x1b9: {  	s10 =	simm.s32 $0xF900  }
0x1ba: {  	[tilespmem:s10], [sflag:$0x4] =	stream.indirect_vreg.gather [hbm4b:s6+s3], $0x80, v3, vm0, $0xb8;
	[tilespmem:$0x18100] =	vst v63  }
0x1bb: {  	_ =	swait.ge [sflag:s0], $0x4000  }
0x1bc: {  	[sflag:s0] =	ssyncset.done $0x0  }
0x1bd: {  	s20 =	simm.s32 $0x10100;
	s10 =	rddreg [dreg:$0xf];
	[sflag:s0] =	ssyncadd.s32 $0xFFFFC000  }
0x1be: {  	[hbm4b:s10+s3] =	stream.linear.scatter [tilespmem:s20], [sflag:$0xB], $0x4000, $0x38;
	[tilespmem:$0x18100] =	vst v63  }
0x1bf: {  	_ =	swait.ge [sflag:s9], $0x4000  }
0x1c0: {  	[sflag:s9] =	ssyncset.done $0x0  }
0x1c1: {  	s12 =	simm.s32 $0x14100;
	s20 =	rddreg [dreg:$0x10];
	[sflag:s9] =	ssyncadd.s32 $0xFFFFC000  }
0x1c2: {  	[hbm4b:s20+s3] =	stream.linear.scatter [tilespmem:s12], [sflag:$0xC], $0x4000, $0x38;
	[tilespmem:$0x18100] =	vst v63  }
0x1c3: {  	_ =	swait.ge [sflag:s15], $0x4000  }
0x1c4: {  	[sflag:s15] =	ssyncset.done $0x0  }
0x1c5: {  	s0 =	rddreg [dreg:$0x11];
	[sflag:s15] =	ssyncadd.s32 $0xFFFFC000  }
0x1c6: {  	[hbm4b:s0+s3] =	stream.linear.scatter [tilespmem:s17], [sflag:$0x7], $0x4000, $0x38;
	[tilespmem:$0x18100] =	vst v63  }
0x1c7: {  	_ =	swait.ge [sflag:s22], $0x4000  }
0x1c8: {  	[sflag:s22] =	ssyncset.done $0x0  }
0x1c9: {  	s9 =	rddreg [dreg:$0x12];
	[sflag:s22] =	ssyncadd.s32 $0xFFFFC000  }
0x1ca: {  	[hbm4b:s9+s3] =	stream.linear.scatter [tilespmem:s25], [sflag:$0x8], $0x4000, $0x38;
	[tilespmem:$0x18100] =	vst v63  }
0x1cb: {  	_ =	swait.ge [sflag:s24], $0x4000  }
0x1cc: {  	[sflag:s24] =	ssyncset.done $0x0  }
0x1cd: {  	s12 =	rddreg [dreg:$0x13];
	[sflag:s24] =	ssyncadd.s32 $0xFFFFC000  }
0x1ce: {  	[hbm4b:s12+s3] =	stream.linear.scatter [tilespmem:s30], [sflag:$0x9], $0x4000, $0x38;
	[tilespmem:$0x18100] =	vst v63  }
0x1cf: {  	_ =	swait.ge [sflag:s28], $0x4000  }
0x1d0: {  	[sflag:s28] =	ssyncset.done $0x0  }
0x1d1: {  	s20 =	rddreg [dreg:$0x14];
	[sflag:s28] =	ssyncadd.s32 $0xFFFFC000  }
0x1d2: {  	[hbm4b:s20+s3] =	stream.linear.scatter [tilespmem:s8], [sflag:$0xA], $0x4000, $0x38;
	[tilespmem:$0x18100] =	vst v63  }
0x1d3: {  	_ =	swait.ge [sflag:s21], $0x4000  }
0x1d4: {  	[sflag:s21] =	ssyncset.done $0x0  }
0x1d5: {  	[sflag:s21] =	ssyncadd.s32 $0xFFFFC000  }
0x1d6: {  	_ =	swait.ge [sflag:s23], $0x4000  }
0x1d7: {  	[sflag:s23] =	ssyncset.done $0x0  }
0x1d8: {  	[sflag:s23] =	ssyncadd.s32 $0xFFFFC000  }
0x1d9: {  	_ =	swait.ge [sflag:s26], $0x4000  }
0x1da: {  	[sflag:s26] =	ssyncset.done $0x0  }
0x1db: {  	[sflag:s26] =	ssyncadd.s32 $0xFFFFC000  }
0x1dc: {  	_ =	swait.ge [sflag:s29], $0x4000  }
0x1dd: {  	[sflag:s29] =	ssyncset.done $0x0  }
0x1de: {  	[sflag:s29] =	ssyncadd.s32 $0xFFFFC000  }
0x1df: {  	p0 =	sne.s32 s7, $0x1;
	_ =	swait.ge [sflag:s1], $0x4000  }
.Ltmp0:
0x1e0: {  	[sflag:s1] =	ssyncset.done $0x0;
	(pc) =	sbr.rel @p0 .LBB2_1-.Ltmp0, $4  }
0x1e1: {  	[sflag:s1] =	ssyncadd.s32 $0xFFFFC000  }
0x1e2: {  	_ =	swait.ge [sflag:s11], $0x4000  }
0x1e3: {  	[sflag:s11] =	ssyncset.done $0x0  }
0x1e4: {  	s7 =	sadd.s32 $0xFFFFFFFF, s7;
	[sflag:s11] =	ssyncadd.s32 $0xFFFFC000  }
0x1e5: {  	_ =	sfence.sel $0x180000  }
0x1e6: {  	[bflag:$0x0] =	sbarrier.arrive $0xFFFF  }
0x1e7: {  	_ =	strace $0x90000047  }
0x1e8: {  	s0 =	stileid.u32;
	[bflag:$0x2] =	sbarrier.arrive $0xFFFF  }
0x1e9: {  	p0 =	sne.s32 s0, $0x0;
	s0 =	rddreg [dreg:$0x3]  }
0x1ea: {  	s0 =	sadd.s32 @!p0 $0x100000, s0  }
0x1eb: {  	[sflag:s0] =	ssyncadd.tile.s32 @!p0 $0x1;
	_ =	shalt  }
.Lfunc_end2:
_tile_overlayer_lowered:
.L_overlay_start_2:
0x1ec: {  	(tag) =	ssettag $0x2  }
0x1ed: {  	s0 =	rddreg [dreg:$0x0];
	s2 =	stileid.u32  }
0x1ee: {  	s1 =	rddreg [dreg:$0x1];
	p0 =	sne.s32 s2, $0x0  }
0x1ef: {  	s3 =	rddreg [dreg:$0x2];
	[bflag:$0x3] =	sbarrier.arrive $0xFFFF;
	s2 =	simm.s32 @!p0 $0x1C0D  }
0x1f0: {  	[timem:s3], [sflag:s2] =	dma.local @!p0 [hbm:s0], s1  }
0x1f1: {  	s0 =	simm.s32 @!p0 $0xD  }
0x1f2: {  	_ =	swait.ge @!p0 [sflag:s0], s1  }
0x1f3: {  	s1 =	ssub.s32 @!p0 $0x0, s1;
	[sflag:s0] =	ssyncset.done @!p0 $0x0  }
0x1f4: {  	[sflag:s0] =	ssyncadd.s32 @!p0 s1  }
0x1f5: {  	[bflag:$0x3] =	sbarrier.arrive $0xFFFF  }
0x1f6: {  	_ =	shalt  }

</sc_bundles>
